<compile_context>
chip_gen: v7x
topology: tpu7x:2x2x1
jax: 0.10.2.dev20260603
libtpu: 0.0.44.dev20260713+nightly
codegen_flags: <defaults>
</compile_context>

<pallas_src>
import functools

import jax
import jax.numpy as jnp
from jax import lax
from jax.experimental import pallas as pl
from jax.experimental.pallas import tpu as pltpu
from jax.experimental.pallas import tpu_sc as plsc

_R = 32
_B = 8
_C = 64
_N = 65536
_V = _R * _R * _R
_P = 8192
_BLK = 4096


def _coords_body(coords_ref, norm_ref, ids_ref):
    c = coords_ref[...]
    mean = jnp.mean(c, axis=2, keepdims=True)
    n = (c - mean + 1.0) / 2.0
    scaled = jnp.clip(n * float(_R), 0.0, float(_R - 1))
    norm_ref[...] = scaled
    v = jnp.round(scaled).astype(jnp.int32)
    ids_ref[...] = (v[:, 0:1, :] * (_R * _R) + v[:, 1:2, :] * _R
                    + v[:, 2:3, :])


def _coords_call(coords):
    return pl.pallas_call(
        _coords_body,
        grid=(_B,),
        in_specs=[pl.BlockSpec((1, 3, _N), lambda b: (b, 0, 0))],
        out_specs=[
            pl.BlockSpec((1, 3, _N), lambda b: (b, 0, 0)),
            pl.BlockSpec((1, 1, _N), lambda b: (b, 0, 0)),
        ],
        out_shape=[
            jax.ShapeDtypeStruct((_B, 3, _N), jnp.float32),
            jax.ShapeDtypeStruct((_B, 1, _N), jnp.int32),
        ],
    )(coords)


def _scale_body(sums_ref, cnt_ref, out_ref):
    s = sums_ref[...]
    c = cnt_ref[...]
    out_ref[...] = s * (1.0 / jnp.maximum(c, 1.0))


def _scale_call(sums, cnts):
    return pl.pallas_call(
        _scale_body,
        grid=(_B, _V // _BLK),
        in_specs=[
            pl.BlockSpec((1, _C, _BLK), lambda b, v: (b, 0, v)),
            pl.BlockSpec((1, 1, _BLK), lambda b, v: (b, 0, v)),
        ],
        out_specs=pl.BlockSpec((1, _C, _BLK), lambda b, v: (b, 0, v)),
        out_shape=jax.ShapeDtypeStruct((_B, _C, _V), jnp.float32),
    )(sums, cnts)


def _sc_body(feat_hbm, ids_hbm, out_hbm, cnt_hbm,
             ids_v, acc_v, buf0, buf1, sem0, sem1, osem):
    cid = lax.axis_index("c")
    sid = lax.axis_index("s")
    wid = cid * 16 + sid
    b = wid // 4
    q = wid % 4
    c0 = q * 16
    zero16 = jnp.zeros((16,), jnp.float32)
    one16 = jnp.full((16,), 1.0, jnp.float32)
    _NCH = _N // (2 * _P)

    pltpu.async_copy(feat_hbm.at[b, c0, pl.ds(0, _P)], buf0, sem0)
    pltpu.async_copy(feat_hbm.at[b, c0, pl.ds(_P, _P)], buf1, sem1)

    pltpu.sync_copy(ids_hbm.at[b], ids_v)

    def zero_all_acc():
        @plsc.parallel_loop(0, _V // 16, 1, unroll=8)
        def _(j):
            acc_v[pl.ds(j * 16, 16)] = zero16

    zero_all_acc()

    @plsc.parallel_loop(0, _N // 16, 1, unroll=16)
    def _(i):
        plsc.addupdate_scatter(acc_v, [ids_v[pl.ds(i * 16, 16)]], one16)

    pltpu.sync_copy(acc_v, cnt_hbm.at[b, q])

    def scatter_chunk(buf, base):
        @plsc.parallel_loop(0, _P // 16, 1, unroll=16)
        def _(i):
            plsc.addupdate_scatter(
                acc_v, [ids_v[pl.ds(base + i * 16, 16)]],
                buf[pl.ds(i * 16, 16)])

    def chan(ci, _):
        c = c0 + ci
        zero_all_acc()

        def pair(k2, _):
            base = k2 * (2 * _P)
            pltpu.make_async_copy(
                feat_hbm.at[b, c, pl.ds(0, _P)], buf0, sem0).wait()
            scatter_chunk(buf0, base)

            @pl.when(k2 < _NCH - 1)
            def _():
                pltpu.async_copy(
                    feat_hbm.at[b, c, pl.ds(base + 2 * _P, _P)], buf0, sem0)
            pltpu.make_async_copy(
                feat_hbm.at[b, c, pl.ds(0, _P)], buf1, sem1).wait()
            scatter_chunk(buf1, base + _P)

            @pl.when(k2 < _NCH - 1)
            def _():
                pltpu.async_copy(
                    feat_hbm.at[b, c, pl.ds(base + 3 * _P, _P)], buf1, sem1)
            return 0
        lax.fori_loop(0, _NCH, pair, 0)

        pltpu.async_copy(acc_v, out_hbm.at[b, c], osem)

        @pl.when(ci < 15)
        def _():
            pltpu.async_copy(feat_hbm.at[b, c + 1, pl.ds(0, _P)], buf0, sem0)
            pltpu.async_copy(feat_hbm.at[b, c + 1, pl.ds(_P, _P)], buf1, sem1)
        pltpu.make_async_copy(acc_v, out_hbm.at[b, c], osem).wait()
        return 0
    lax.fori_loop(0, 16, chan, 0)


def _sc_call(features, ids):
    mesh = plsc.VectorSubcoreMesh(core_axis_name="c", subcore_axis_name="s")
    f = functools.partial(
        pl.kernel,
        out_type=[
            jax.ShapeDtypeStruct((_B, _C, _V), jnp.float32),
            jax.ShapeDtypeStruct((_B, 4, _V), jnp.float32),
        ],
        mesh=mesh,
        compiler_params=pltpu.CompilerParams(needs_layout_passes=False),
        scratch_types=[
            pltpu.VMEM((_N,), jnp.int32),
            pltpu.VMEM((_V,), jnp.float32),
            pltpu.VMEM((_P,), jnp.float32),
            pltpu.VMEM((_P,), jnp.float32),
            pltpu.SemaphoreType.DMA,
            pltpu.SemaphoreType.DMA,
            pltpu.SemaphoreType.DMA,
        ],
    )(_sc_body)
    return f(features, ids)


def kernel(features, coords):
    coords = lax.stop_gradient(coords)
    norm, ids3 = _coords_call(coords)
    ids = ids3.reshape(_B, _N)
    sums, cnts = _sc_call(features, ids)
    vox = _scale_call(sums, cnts[:, 0:1, :])
    return vox.reshape(_B, _C, _R, _R, _R), norm

# --- scband reference (transcript-rebuilt; emitter-appended) ---
"""Pipeline reference for scband-voxelization-867583394203 (READ-ONLY COPY).

The authoritative reference and input builder live on the scoring server;
editing this copy changes nothing except your own understanding.
"""

import jax, jax.numpy as jnp
import numpy as np

R = 32


def setup_inputs(seed: int = 0) -> dict:
    key = jax.random.key(seed)
    k1, k2 = jax.random.split(key)
    features = jax.random.normal(k1, (8, 64, 65536), dtype=jnp.float32)
    coords = jax.random.uniform(k2, (8, 3, 65536), dtype=jnp.float32)
    return {"features": features, "coords": coords}


def _avg_voxelize(features, vox_coords, r):
    # features: [B, C, N], vox_coords: int32 [B, 3, N] in [0, r-1]
    B, C, N = features.shape
    flat = (vox_coords[:, 0] * (r * r) + vox_coords[:, 1] * r + vox_coords[:, 2]).astype(jnp.int32)  # [B, N]
    offsets = (jnp.arange(B, dtype=jnp.int32) * (r ** 3))[:, None]
    ids = (flat + offsets).reshape(-1)  # [B*N]
    data = jnp.transpose(features, (0, 2, 1)).reshape(B * N, C)  # [B*N, C]
    sums = jax.ops.segment_sum(data, ids, num_segments=B * r ** 3)  # [B*r^3, C]
    cnts = jax.ops.segment_sum(jnp.ones((B * N,), jnp.float32), ids, num_segments=B * r ** 3)
    avg = sums / jnp.maximum(cnts, 1.0)[:, None]
    out = jnp.transpose(avg.reshape(B, r ** 3, C), (0, 2, 1)).reshape(B, C, r, r, r)
    return out


def reference(features, coords):
    r = R
    coords = jax.lax.stop_gradient(coords)  # coords.detach()
    norm_coords = coords - jnp.mean(coords, axis=2, keepdims=True)
    # normalize=False, scale_pvcnn=False branch
    norm_coords = (norm_coords + 1.0) / 2.0
    norm_coords = jnp.clip(norm_coords * r, 0.0, float(r - 1))
    vox_coords = jnp.round(norm_coords).astype(jnp.int32)
    out = _avg_voxelize(features, vox_coords, r)
    return (out, norm_coords)

if __name__ == "__main__":
    import jax
    _d = setup_inputs()
    print(jax.jit(kernel)(*tuple(_d.values())))

</pallas_src>

<mosaic_0001>
#map = affine_map<(d0, d1) -> (0, 0, 0)>
#map1 = affine_map<(d0, d1) -> (0, 0)>
module attributes {stable_mosaic.version = 14 : i64} {
  func.func @_sc_body(%arg0: i32, %arg1: i32, %arg2: memref<8x64x65536xf32, #tpu.memory_space<hbm>>, %arg3: memref<8x65536xi32, #tpu.memory_space<hbm>>, %arg4: memref<8x64x32768xf32, #tpu.memory_space<hbm>>, %arg5: memref<8x4x32768xf32, #tpu.memory_space<hbm>>, %arg6: memref<65536xi32, #tpu.memory_space<vmem>>, %arg7: memref<32768xf32, #tpu.memory_space<vmem>>, %arg8: memref<8192xf32, #tpu.memory_space<vmem>>, %arg9: memref<8192xf32, #tpu.memory_space<vmem>>, %arg10: memref<!tpu.dma_semaphore, #tpu.memory_space<semaphore_mem>>, %arg11: memref<!tpu.dma_semaphore, #tpu.memory_space<semaphore_mem>>, %arg12: memref<!tpu.dma_semaphore, #tpu.memory_space<semaphore_mem>>) attributes {dimension_semantics = [#tpu.dimension_semantics<core_parallel>, #tpu.dimension_semantics<subcore_parallel>], iteration_bounds = array<i64: 2, 16>, scalar_prefetch = 0 : i64, scratch_operands = 7 : i64, tpu.core_type = #tpu.core_type<sc_vector_subcore>, window_params = [{transform_indices = #map}, {transform_indices = #map1}, {transform_indices = #map}, {transform_indices = #map}]} {
    %mul3A = arith.constant 16 : i32
    %mul3A_0 = arith.muli %arg0, %mul3A : i32
    %add3A = arith.addi %mul3A_0, %arg1 : i32
    %jit3A = arith.constant 4 : i32
    %div3A = arith.divsi %add3A, %jit3A : i32
    %sign3A = arith.constant 0 : i32
    %sign3A_1 = arith.cmpi sgt, %add3A, %sign3A : i32
    %sign3A_2 = arith.extui %sign3A_1 : i1 to i32
    %sign3A_3 = arith.constant 0 : i32
    %sign3A_4 = arith.cmpi slt, %add3A, %sign3A_3 : i32
    %sign3A_5 = arith.extui %sign3A_4 : i1 to i32
    %sign3A_6 = arith.subi %sign3A_2, %sign3A_5 : i32
    %sign3A_7 = arith.constant 0 : i32
    %sign3A_8 = arith.cmpi sgt, %jit3A, %sign3A_7 : i32
    %sign3A_9 = arith.extui %sign3A_8 : i1 to i32
    %sign3A_10 = arith.constant 0 : i32
    %sign3A_11 = arith.cmpi slt, %jit3A, %sign3A_10 : i32
    %sign3A_12 = arith.extui %sign3A_11 : i1 to i32
    %sign3A_13 = arith.subi %sign3A_9, %sign3A_12 : i32
    %ne3A = arith.cmpi ne, %sign3A_6, %sign3A_13 : i32
    %rem3A = arith.remsi %add3A, %jit3A : i32
    %ne3A_14 = arith.constant 0 : i32
    %ne3A_15 = arith.cmpi ne, %rem3A, %ne3A_14 : i32
    %and3A = arith.andi %ne3A, %ne3A_15 : i1
    %sub3A = arith.constant 1 : i32
    %sub3A_16 = arith.subi %div3A, %sub3A : i32
    %select_n3A = arith.select %and3A, %sub3A_16, %div3A : i32
    %jit3A_17 = arith.constant 4 : i32
    %eq3A = arith.constant 0 : i32
    %eq3A_18 = arith.cmpi eq, %jit3A_17, %eq3A : i32
    %jit3A_19 = arith.constant 1 : i32
    %select_n3A_20 = arith.select %eq3A_18, %jit3A_19, %jit3A_17 : i32
    %rem3A_21 = arith.remsi %add3A, %select_n3A_20 : i32
    %ne3A_22 = arith.constant 0 : i32
    %ne3A_23 = arith.cmpi ne, %rem3A_21, %ne3A_22 : i32
    %lt3A = arith.constant 0 : i32
    %lt3A_24 = arith.cmpi slt, %rem3A_21, %lt3A : i32
    %lt3A_25 = arith.constant 0 : i32
    %lt3A_26 = arith.cmpi slt, %select_n3A_20, %lt3A_25 : i32
    %ne3A_27 = arith.xori %lt3A_24, %lt3A_26 : i1
    %and3A_28 = arith.andi %ne3A_27, %ne3A_23 : i1
    %add3A_29 = arith.addi %rem3A_21, %select_n3A_20 : i32
    %select_n3A_30 = arith.select %and3A_28, %add3A_29, %rem3A_21 : i32
    %mul3A_31 = arith.constant 16 : i32
    %mul3A_32 = arith.muli %select_n3A_30, %mul3A_31 : i32
    %broadcast_in_dim3A = arith.constant 0.000000e+00 : f32
    %broadcast_in_dim3A_33 = vector.broadcast %broadcast_in_dim3A : f32 to vector<16xf32>
    %broadcast_in_dim3A_34 = arith.constant 1.000000e+00 : f32
    %broadcast_in_dim3A_35 = vector.broadcast %broadcast_in_dim3A_34 : f32 to vector<16xf32>
    %dma_start3A = arith.constant 0 : i32
    %dma_start3A_36 = tpu.memref_slice %arg2[%select_n3A, %mul3A_32, %dma_start3A] : memref<8x64x65536xf32, #tpu.memory_space<hbm>> -> memref<1x1x8192xf32, #tpu.memory_space<hbm>>
    %dma_start3A_37 = tpu.memref_squeeze %dma_start3A_36 : memref<1x1x8192xf32, #tpu.memory_space<hbm>> -> memref<8192xf32, #tpu.memory_space<hbm>>
    %dma_start3A_38 = arith.constant 0 : i32
    %dma_start3A_39 = tpu.memref_slice %arg2[%select_n3A, %mul3A_32, %dma_start3A_38] : memref<8x64x65536xf32, #tpu.memory_space<hbm>> -> memref<1x1x8192xf32, #tpu.memory_space<hbm>>
    %dma_start3A_40 = tpu.memref_squeeze %dma_start3A_39 : memref<1x1x8192xf32, #tpu.memory_space<hbm>> -> memref<8192xf32, #tpu.memory_space<hbm>>
    tpu.enqueue_dma source(%dma_start3A_40 : memref<8192xf32, #tpu.memory_space<hbm>>) target(%arg8 : memref<8192xf32, #tpu.memory_space<vmem>>) target_semaphore(%arg10 : memref<!tpu.dma_semaphore, #tpu.memory_space<semaphore_mem>>)
    %dma_start3A_41 = arith.constant 8192 : i32
    %dma_start3A_42 = tpu.memref_slice %arg2[%select_n3A, %mul3A_32, %dma_start3A_41] : memref<8x64x65536xf32, #tpu.memory_space<hbm>> -> memref<1x1x8192xf32, #tpu.memory_space<hbm>>
    %dma_start3A_43 = tpu.memref_squeeze %dma_start3A_42 : memref<1x1x8192xf32, #tpu.memory_space<hbm>> -> memref<8192xf32, #tpu.memory_space<hbm>>
    %dma_start3A_44 = arith.constant 8192 : i32
    %dma_start3A_45 = tpu.memref_slice %arg2[%select_n3A, %mul3A_32, %dma_start3A_44] : memref<8x64x65536xf32, #tpu.memory_space<hbm>> -> memref<1x1x8192xf32, #tpu.memory_space<hbm>>
    %dma_start3A_46 = tpu.memref_squeeze %dma_start3A_45 : memref<1x1x8192xf32, #tpu.memory_space<hbm>> -> memref<8192xf32, #tpu.memory_space<hbm>>
    tpu.enqueue_dma source(%dma_start3A_46 : memref<8192xf32, #tpu.memory_space<hbm>>) target(%arg9 : memref<8192xf32, #tpu.memory_space<vmem>>) target_semaphore(%arg11 : memref<!tpu.dma_semaphore, #tpu.memory_space<semaphore_mem>>)
    "tpu.region"() ({
      %run_scoped3A = tpu.sem_alloc : memref<!tpu.dma_semaphore, #tpu.memory_space<semaphore_mem>>
      %dma_start3A_58 = arith.constant 0 : i32
      %dma_start3A_59 = tpu.memref_slice %arg3[%select_n3A, %dma_start3A_58] : memref<8x65536xi32, #tpu.memory_space<hbm>> -> memref<1x65536xi32, #tpu.memory_space<hbm>>
      %dma_start3A_60 = tpu.memref_squeeze %dma_start3A_59 : memref<1x65536xi32, #tpu.memory_space<hbm>> -> memref<65536xi32, #tpu.memory_space<hbm>>
      %dma_start3A_61 = arith.constant 0 : i32
      %dma_start3A_62 = tpu.memref_slice %arg3[%select_n3A, %dma_start3A_61] : memref<8x65536xi32, #tpu.memory_space<hbm>> -> memref<1x65536xi32, #tpu.memory_space<hbm>>
      %dma_start3A_63 = tpu.memref_squeeze %dma_start3A_62 : memref<1x65536xi32, #tpu.memory_space<hbm>> -> memref<65536xi32, #tpu.memory_space<hbm>>
      tpu.enqueue_dma source(%dma_start3A_63 : memref<65536xi32, #tpu.memory_space<hbm>>) target(%arg6 : memref<65536xi32, #tpu.memory_space<vmem>>) target_semaphore(%run_scoped3A : memref<!tpu.dma_semaphore, #tpu.memory_space<semaphore_mem>>)
      %dma_wait3A = arith.constant 0 : i32
      %dma_wait3A_64 = tpu.memref_slice %arg3[%select_n3A, %dma_wait3A] : memref<8x65536xi32, #tpu.memory_space<hbm>> -> memref<1x65536xi32, #tpu.memory_space<hbm>>
      %dma_wait3A_65 = tpu.memref_squeeze %dma_wait3A_64 : memref<1x65536xi32, #tpu.memory_space<hbm>> -> memref<65536xi32, #tpu.memory_space<hbm>>
      %dma_wait3A_66 = arith.constant 0 : i32
      %dma_wait3A_67 = tpu.memref_slice %arg3[%select_n3A, %dma_wait3A_66] : memref<8x65536xi32, #tpu.memory_space<hbm>> -> memref<1x65536xi32, #tpu.memory_space<hbm>>
      %dma_wait3A_68 = tpu.memref_squeeze %dma_wait3A_67 : memref<1x65536xi32, #tpu.memory_space<hbm>> -> memref<65536xi32, #tpu.memory_space<hbm>>
      tpu.wait_dma2 semaphore(%run_scoped3A : memref<!tpu.dma_semaphore, #tpu.memory_space<semaphore_mem>>) src(%dma_wait3A_68 : memref<65536xi32, #tpu.memory_space<hbm>>) dst(%arg6 : memref<65536xi32, #tpu.memory_space<vmem>>)
      tpu.yield
    }) : () -> ()
    %parallel_loop3A = arith.constant 0 : i32
    %parallel_loop3A_47 = arith.constant 2048 : i32
    %parallel_loop3A_48 = arith.constant 1 : i32
    scf.for %parallel_loop3A_58 = %parallel_loop3A to %parallel_loop3A_47 step %parallel_loop3A_48  : i32 {
      %parallel_loop3A_59 = arith.constant 16 : i32
      %parallel_loop3A_60 = arith.muli %parallel_loop3A_58, %parallel_loop3A_59 : i32
      %parallel_loop3A_61 = arith.index_cast %parallel_loop3A_60 : i32 to index
      %parallel_loop3A_62 = tpu.vector_load %arg7[%parallel_loop3A_61] {strides = array<i32>} : memref<32768xf32, #tpu.memory_space<vmem>>, vector<16xf32>,
      tpu.vector_store %arg7[%parallel_loop3A_61], %broadcast_in_dim3A_33 {strides = array<i32>} : memref<32768xf32, #tpu.memory_space<vmem>>, vector<16xf32>,
    } {sc.loop_unroll_factor = 8 : i64, sc.parallel_access}
    %parallel_loop3A_49 = arith.constant 0 : i32
    %parallel_loop3A_50 = arith.constant 4096 : i32
    %parallel_loop3A_51 = arith.constant 1 : i32
    scf.for %parallel_loop3A_58 = %parallel_loop3A_49 to %parallel_loop3A_50 step %parallel_loop3A_51  : i32 {
      %parallel_loop3A_59 = arith.constant 16 : i32
      %parallel_loop3A_60 = arith.muli %parallel_loop3A_58, %parallel_loop3A_59 : i32
      %parallel_loop3A_61 = arith.index_cast %parallel_loop3A_60 : i32 to index
      %parallel_loop3A_62 = tpu.vector_load %arg6[%parallel_loop3A_61] {strides = array<i32>} : memref<65536xi32, #tpu.memory_space<vmem>>, vector<16xi32>,
      tpu.vector_store_idx %arg7[%parallel_loop3A_62], %broadcast_in_dim3A_35 {add = true} : memref<32768xf32, #tpu.memory_space<vmem>>[vector<16xi32>], vector<16xf32>,
    } {sc.loop_unroll_factor = 16 : i64, sc.parallel_access}
    "tpu.region"() ({
      %run_scoped3A = tpu.sem_alloc : memref<!tpu.dma_semaphore, #tpu.memory_space<semaphore_mem>>
      %dma_start3A_58 = arith.constant 0 : i32
      %dma_start3A_59 = tpu.memref_slice %arg5[%select_n3A, %select_n3A_30, %dma_start3A_58] : memref<8x4x32768xf32, #tpu.memory_space<hbm>> -> memref<1x1x32768xf32, #tpu.memory_space<hbm>>
      %dma_start3A_60 = tpu.memref_squeeze %dma_start3A_59 : memref<1x1x32768xf32, #tpu.memory_space<hbm>> -> memref<32768xf32, #tpu.memory_space<hbm>>
      %dma_start3A_61 = arith.constant 0 : i32
      %dma_start3A_62 = tpu.memref_slice %arg5[%select_n3A, %select_n3A_30, %dma_start3A_61] : memref<8x4x32768xf32, #tpu.memory_space<hbm>> -> memref<1x1x32768xf32, #tpu.memory_space<hbm>>
      %dma_start3A_63 = tpu.memref_squeeze %dma_start3A_62 : memref<1x1x32768xf32, #tpu.memory_space<hbm>> -> memref<32768xf32, #tpu.memory_space<hbm>>
      tpu.enqueue_dma source(%arg7 : memref<32768xf32, #tpu.memory_space<vmem>>) target(%dma_start3A_63 : memref<32768xf32, #tpu.memory_space<hbm>>) target_semaphore(%run_scoped3A : memref<!tpu.dma_semaphore, #tpu.memory_space<semaphore_mem>>)
      %dma_wait3A = arith.constant 0 : i32
      %dma_wait3A_64 = tpu.memref_slice %arg5[%select_n3A, %select_n3A_30, %dma_wait3A] : memref<8x4x32768xf32, #tpu.memory_space<hbm>> -> memref<1x1x32768xf32, #tpu.memory_space<hbm>>
      %dma_wait3A_65 = tpu.memref_squeeze %dma_wait3A_64 : memref<1x1x32768xf32, #tpu.memory_space<hbm>> -> memref<32768xf32, #tpu.memory_space<hbm>>
      %dma_wait3A_66 = arith.constant 0 : i32
      %dma_wait3A_67 = tpu.memref_slice %arg5[%select_n3A, %select_n3A_30, %dma_wait3A_66] : memref<8x4x32768xf32, #tpu.memory_space<hbm>> -> memref<1x1x32768xf32, #tpu.memory_space<hbm>>
      %dma_wait3A_68 = tpu.memref_squeeze %dma_wait3A_67 : memref<1x1x32768xf32, #tpu.memory_space<hbm>> -> memref<32768xf32, #tpu.memory_space<hbm>>
      tpu.wait_dma2 semaphore(%run_scoped3A : memref<!tpu.dma_semaphore, #tpu.memory_space<semaphore_mem>>) src(%arg7 : memref<32768xf32, #tpu.memory_space<vmem>>) dst(%dma_wait3A_68 : memref<32768xf32, #tpu.memory_space<hbm>>)
      tpu.yield
    }) : () -> ()
    %scan3A = arith.constant 0 : i32
    %scan3A_52 = arith.constant 0 : i32
    %scan3A_53 = arith.constant 16 : i32
    %scan3A_54 = arith.addi %scan3A_52, %scan3A_53 : i32
    %scan3A_55 = arith.constant 1 : i32
    %scan3A_56 = scf.for %scan3A_58 = %scan3A_52 to %scan3A_54 step %scan3A_55 iter_args(%scan3A_59 = %scan3A) -> (i32)  : i32 {
      %add3A_60 = arith.addi %mul3A_32, %scan3A_58 : i32
      %parallel_loop3A_61 = arith.constant 0 : i32
      %parallel_loop3A_62 = arith.constant 2048 : i32
      %parallel_loop3A_63 = arith.constant 1 : i32
      scf.for %parallel_loop3A_86 = %parallel_loop3A_61 to %parallel_loop3A_62 step %parallel_loop3A_63  : i32 {
        %parallel_loop3A_87 = arith.constant 16 : i32
        %parallel_loop3A_88 = arith.muli %parallel_loop3A_86, %parallel_loop3A_87 : i32
        %parallel_loop3A_89 = arith.index_cast %parallel_loop3A_88 : i32 to index
        %parallel_loop3A_90 = tpu.vector_load %arg7[%parallel_loop3A_89] {strides = array<i32>} : memref<32768xf32, #tpu.memory_space<vmem>>, vector<16xf32>,
        tpu.vector_store %arg7[%parallel_loop3A_89], %broadcast_in_dim3A_33 {strides = array<i32>} : memref<32768xf32, #tpu.memory_space<vmem>>, vector<16xf32>,
      } {sc.loop_unroll_factor = 8 : i64, sc.parallel_access}
      %scan3A_64 = arith.constant 0 : i32
      %scan3A_65 = arith.constant 0 : i32
      %scan3A_66 = arith.constant 4 : i32
      %scan3A_67 = arith.addi %scan3A_65, %scan3A_66 : i32
      %scan3A_68 = arith.constant 1 : i32
      %scan3A_69 = scf.for %scan3A_86 = %scan3A_65 to %scan3A_67 step %scan3A_68 iter_args(%scan3A_87 = %scan3A_64) -> (i32)  : i32 {
        %mul3A_88 = arith.constant 16384 : i32
        %mul3A_89 = arith.muli %scan3A_86, %mul3A_88 : i32
        %dma_wait3A_90 = arith.constant 0 : i32
        %dma_wait3A_91 = tpu.memref_slice %arg2[%select_n3A, %add3A_60, %dma_wait3A_90] : memref<8x64x65536xf32, #tpu.memory_space<hbm>> -> memref<1x1x8192xf32, #tpu.memory_space<hbm>>
        %dma_wait3A_92 = tpu.memref_squeeze %dma_wait3A_91 : memref<1x1x8192xf32, #tpu.memory_space<hbm>> -> memref<8192xf32, #tpu.memory_space<hbm>>
        %dma_wait3A_93 = arith.constant 0 : i32
        %dma_wait3A_94 = tpu.memref_slice %arg2[%select_n3A, %add3A_60, %dma_wait3A_93] : memref<8x64x65536xf32, #tpu.memory_space<hbm>> -> memref<1x1x8192xf32, #tpu.memory_space<hbm>>
        %dma_wait3A_95 = tpu.memref_squeeze %dma_wait3A_94 : memref<1x1x8192xf32, #tpu.memory_space<hbm>> -> memref<8192xf32, #tpu.memory_space<hbm>>
        tpu.wait_dma2 semaphore(%arg10 : memref<!tpu.dma_semaphore, #tpu.memory_space<semaphore_mem>>) src(%dma_wait3A_95 : memref<8192xf32, #tpu.memory_space<hbm>>) dst(%arg8 : memref<8192xf32, #tpu.memory_space<vmem>>)
        %parallel_loop3A_96 = arith.constant 0 : i32
        %parallel_loop3A_97 = arith.constant 512 : i32
        %parallel_loop3A_98 = arith.constant 1 : i32
        scf.for %parallel_loop3A_121 = %parallel_loop3A_96 to %parallel_loop3A_97 step %parallel_loop3A_98  : i32 {
          %parallel_loop3A_122 = arith.constant 16 : i32
          %parallel_loop3A_123 = arith.muli %parallel_loop3A_121, %parallel_loop3A_122 : i32
          %parallel_loop3A_124 = arith.addi %mul3A_89, %parallel_loop3A_123 : i32
          %parallel_loop3A_125 = arith.index_cast %parallel_loop3A_124 : i32 to index
          %parallel_loop3A_126 = tpu.vector_load %arg6[%parallel_loop3A_125] {strides = array<i32>} : memref<65536xi32, #tpu.memory_space<vmem>>, vector<16xi32>,
          %parallel_loop3A_127 = arith.constant 16 : i32
          %parallel_loop3A_128 = arith.muli %parallel_loop3A_121, %parallel_loop3A_127 : i32
          %parallel_loop3A_129 = arith.index_cast %parallel_loop3A_128 : i32 to index
          %parallel_loop3A_130 = tpu.vector_load %arg8[%parallel_loop3A_129] {strides = array<i32>} : memref<8192xf32, #tpu.memory_space<vmem>>, vector<16xf32>,
          tpu.vector_store_idx %arg7[%parallel_loop3A_126], %parallel_loop3A_130 {add = true} : memref<32768xf32, #tpu.memory_space<vmem>>[vector<16xi32>], vector<16xf32>,
        } {sc.loop_unroll_factor = 16 : i64, sc.parallel_access}
        %lt3A_99 = arith.constant 3 : i32
        %lt3A_100 = arith.cmpi slt, %scan3A_86, %lt3A_99 : i32
        %convert_element_type3A_101 = arith.extui %lt3A_100 : i1 to i32
        %cond3A_102 = arith.constant 0 : i32
        %cond3A_103 = arith.cmpi ne, %convert_element_type3A_101, %cond3A_102 : i32
        scf.if %cond3A_103 {
          %add3A_121 = arith.constant 16384 : i32
          %add3A_122 = arith.addi %mul3A_89, %add3A_121 : i32
          %dma_start3A_123 = tpu.memref_slice %arg2[%select_n3A, %add3A_60, %add3A_122] : memref<8x64x65536xf32, #tpu.memory_space<hbm>> -> memref<1x1x8192xf32, #tpu.memory_space<hbm>>
          %dma_start3A_124 = tpu.memref_squeeze %dma_start3A_123 : memref<1x1x8192xf32, #tpu.memory_space<hbm>> -> memref<8192xf32, #tpu.memory_space<hbm>>
          %dma_start3A_125 = tpu.memref_slice %arg2[%select_n3A, %add3A_60, %add3A_122] : memref<8x64x65536xf32, #tpu.memory_space<hbm>> -> memref<1x1x8192xf32, #tpu.memory_space<hbm>>
          %dma_start3A_126 = tpu.memref_squeeze %dma_start3A_125 : memref<1x1x8192xf32, #tpu.memory_space<hbm>> -> memref<8192xf32, #tpu.memory_space<hbm>>
          tpu.enqueue_dma source(%dma_start3A_126 : memref<8192xf32, #tpu.memory_space<hbm>>) target(%arg8 : memref<8192xf32, #tpu.memory_space<vmem>>) target_semaphore(%arg10 : memref<!tpu.dma_semaphore, #tpu.memory_space<semaphore_mem>>)
        } else {
        }
        %dma_wait3A_104 = arith.constant 0 : i32
        %dma_wait3A_105 = tpu.memref_slice %arg2[%select_n3A, %add3A_60, %dma_wait3A_104] : memref<8x64x65536xf32, #tpu.memory_space<hbm>> -> memref<1x1x8192xf32, #tpu.memory_space<hbm>>
        %dma_wait3A_106 = tpu.memref_squeeze %dma_wait3A_105 : memref<1x1x8192xf32, #tpu.memory_space<hbm>> -> memref<8192xf32, #tpu.memory_space<hbm>>
        %dma_wait3A_107 = arith.constant 0 : i32
        %dma_wait3A_108 = tpu.memref_slice %arg2[%select_n3A, %add3A_60, %dma_wait3A_107] : memref<8x64x65536xf32, #tpu.memory_space<hbm>> -> memref<1x1x8192xf32, #tpu.memory_space<hbm>>
        %dma_wait3A_109 = tpu.memref_squeeze %dma_wait3A_108 : memref<1x1x8192xf32, #tpu.memory_space<hbm>> -> memref<8192xf32, #tpu.memory_space<hbm>>
        tpu.wait_dma2 semaphore(%arg11 : memref<!tpu.dma_semaphore, #tpu.memory_space<semaphore_mem>>) src(%dma_wait3A_109 : memref<8192xf32, #tpu.memory_space<hbm>>) dst(%arg9 : memref<8192xf32, #tpu.memory_space<vmem>>)
        %add3A_110 = arith.constant 8192 : i32
        %add3A_111 = arith.addi %mul3A_89, %add3A_110 : i32
        %parallel_loop3A_112 = arith.constant 0 : i32
        %parallel_loop3A_113 = arith.constant 512 : i32
        %parallel_loop3A_114 = arith.constant 1 : i32
        scf.for %parallel_loop3A_121 = %parallel_loop3A_112 to %parallel_loop3A_113 step %parallel_loop3A_114  : i32 {
          %parallel_loop3A_122 = arith.constant 16 : i32
          %parallel_loop3A_123 = arith.muli %parallel_loop3A_121, %parallel_loop3A_122 : i32
          %parallel_loop3A_124 = arith.addi %add3A_111, %parallel_loop3A_123 : i32
          %parallel_loop3A_125 = arith.index_cast %parallel_loop3A_124 : i32 to index
          %parallel_loop3A_126 = tpu.vector_load %arg6[%parallel_loop3A_125] {strides = array<i32>} : memref<65536xi32, #tpu.memory_space<vmem>>, vector<16xi32>,
          %parallel_loop3A_127 = arith.constant 16 : i32
          %parallel_loop3A_128 = arith.muli %parallel_loop3A_121, %parallel_loop3A_127 : i32
          %parallel_loop3A_129 = arith.index_cast %parallel_loop3A_128 : i32 to index
          %parallel_loop3A_130 = tpu.vector_load %arg9[%parallel_loop3A_129] {strides = array<i32>} : memref<8192xf32, #tpu.memory_space<vmem>>, vector<16xf32>,
          tpu.vector_store_idx %arg7[%parallel_loop3A_126], %parallel_loop3A_130 {add = true} : memref<32768xf32, #tpu.memory_space<vmem>>[vector<16xi32>], vector<16xf32>,
        } {sc.loop_unroll_factor = 16 : i64, sc.parallel_access}
        %lt3A_115 = arith.constant 3 : i32
        %lt3A_116 = arith.cmpi slt, %scan3A_86, %lt3A_115 : i32
        %convert_element_type3A_117 = arith.extui %lt3A_116 : i1 to i32
        %cond3A_118 = arith.constant 0 : i32
        %cond3A_119 = arith.cmpi ne, %convert_element_type3A_117, %cond3A_118 : i32
        scf.if %cond3A_119 {
          %add3A_121 = arith.constant 24576 : i32
          %add3A_122 = arith.addi %mul3A_89, %add3A_121 : i32
          %dma_start3A_123 = tpu.memref_slice %arg2[%select_n3A, %add3A_60, %add3A_122] : memref<8x64x65536xf32, #tpu.memory_space<hbm>> -> memref<1x1x8192xf32, #tpu.memory_space<hbm>>
          %dma_start3A_124 = tpu.memref_squeeze %dma_start3A_123 : memref<1x1x8192xf32, #tpu.memory_space<hbm>> -> memref<8192xf32, #tpu.memory_space<hbm>>
          %dma_start3A_125 = tpu.memref_slice %arg2[%select_n3A, %add3A_60, %add3A_122] : memref<8x64x65536xf32, #tpu.memory_space<hbm>> -> memref<1x1x8192xf32, #tpu.memory_space<hbm>>
          %dma_start3A_126 = tpu.memref_squeeze %dma_start3A_125 : memref<1x1x8192xf32, #tpu.memory_space<hbm>> -> memref<8192xf32, #tpu.memory_space<hbm>>
          tpu.enqueue_dma source(%dma_start3A_126 : memref<8192xf32, #tpu.memory_space<hbm>>) target(%arg9 : memref<8192xf32, #tpu.memory_space<vmem>>) target_semaphore(%arg11 : memref<!tpu.dma_semaphore, #tpu.memory_space<semaphore_mem>>)
        } else {
        }
        %scan3A_120 = arith.constant 0 : i32
        scf.yield %scan3A_120 : i32
      }
      %scan3A_70 = arith.constant 4 : i32
      %dma_start3A_71 = arith.constant 0 : i32
      %dma_start3A_72 = tpu.memref_slice %arg4[%select_n3A, %add3A_60, %dma_start3A_71] : memref<8x64x32768xf32, #tpu.memory_space<hbm>> -> memref<1x1x32768xf32, #tpu.memory_space<hbm>>
      %dma_start3A_73 = tpu.memref_squeeze %dma_start3A_72 : memref<1x1x32768xf32, #tpu.memory_space<hbm>> -> memref<32768xf32, #tpu.memory_space<hbm>>
      %dma_start3A_74 = arith.constant 0 : i32
      %dma_start3A_75 = tpu.memref_slice %arg4[%select_n3A, %add3A_60, %dma_start3A_74] : memref<8x64x32768xf32, #tpu.memory_space<hbm>> -> memref<1x1x32768xf32, #tpu.memory_space<hbm>>
      %dma_start3A_76 = tpu.memref_squeeze %dma_start3A_75 : memref<1x1x32768xf32, #tpu.memory_space<hbm>> -> memref<32768xf32, #tpu.memory_space<hbm>>
      tpu.enqueue_dma source(%arg7 : memref<32768xf32, #tpu.memory_space<vmem>>) target(%dma_start3A_76 : memref<32768xf32, #tpu.memory_space<hbm>>) target_semaphore(%arg12 : memref<!tpu.dma_semaphore, #tpu.memory_space<semaphore_mem>>)
      %lt3A_77 = arith.constant 15 : i32
      %lt3A_78 = arith.cmpi slt, %scan3A_58, %lt3A_77 : i32
      %convert_element_type3A = arith.extui %lt3A_78 : i1 to i32
      %cond3A = arith.constant 0 : i32
      %cond3A_79 = arith.cmpi ne, %convert_element_type3A, %cond3A : i32
      scf.if %cond3A_79 {
        %add3A_86 = arith.constant 1 : i32
        %add3A_87 = arith.addi %add3A_60, %add3A_86 : i32
        %dma_start3A_88 = arith.constant 0 : i32
        %dma_start3A_89 = tpu.memref_slice %arg2[%select_n3A, %add3A_87, %dma_start3A_88] : memref<8x64x65536xf32, #tpu.memory_space<hbm>> -> memref<1x1x8192xf32, #tpu.memory_space<hbm>>
        %dma_start3A_90 = tpu.memref_squeeze %dma_start3A_89 : memref<1x1x8192xf32, #tpu.memory_space<hbm>> -> memref<8192xf32, #tpu.memory_space<hbm>>
        %dma_start3A_91 = arith.constant 0 : i32
        %dma_start3A_92 = tpu.memref_slice %arg2[%select_n3A, %add3A_87, %dma_start3A_91] : memref<8x64x65536xf32, #tpu.memory_space<hbm>> -> memref<1x1x8192xf32, #tpu.memory_space<hbm>>
        %dma_start3A_93 = tpu.memref_squeeze %dma_start3A_92 : memref<1x1x8192xf32, #tpu.memory_space<hbm>> -> memref<8192xf32, #tpu.memory_space<hbm>>
        tpu.enqueue_dma source(%dma_start3A_93 : memref<8192xf32, #tpu.memory_space<hbm>>) target(%arg8 : memref<8192xf32, #tpu.memory_space<vmem>>) target_semaphore(%arg10 : memref<!tpu.dma_semaphore, #tpu.memory_space<semaphore_mem>>)
        %add3A_94 = arith.constant 1 : i32
        %add3A_95 = arith.addi %add3A_60, %add3A_94 : i32
        %dma_start3A_96 = arith.constant 8192 : i32
        %dma_start3A_97 = tpu.memref_slice %arg2[%select_n3A, %add3A_95, %dma_start3A_96] : memref<8x64x65536xf32, #tpu.memory_space<hbm>> -> memref<1x1x8192xf32, #tpu.memory_space<hbm>>
        %dma_start3A_98 = tpu.memref_squeeze %dma_start3A_97 : memref<1x1x8192xf32, #tpu.memory_space<hbm>> -> memref<8192xf32, #tpu.memory_space<hbm>>
        %dma_start3A_99 = arith.constant 8192 : i32
        %dma_start3A_100 = tpu.memref_slice %arg2[%select_n3A, %add3A_95, %dma_start3A_99] : memref<8x64x65536xf32, #tpu.memory_space<hbm>> -> memref<1x1x8192xf32, #tpu.memory_space<hbm>>
        %dma_start3A_101 = tpu.memref_squeeze %dma_start3A_100 : memref<1x1x8192xf32, #tpu.memory_space<hbm>> -> memref<8192xf32, #tpu.memory_space<hbm>>
        tpu.enqueue_dma source(%dma_start3A_101 : memref<8192xf32, #tpu.memory_space<hbm>>) target(%arg9 : memref<8192xf32, #tpu.memory_space<vmem>>) target_semaphore(%arg11 : memref<!tpu.dma_semaphore, #tpu.memory_space<semaphore_mem>>)
      } else {
      }
      %dma_wait3A = arith.constant 0 : i32
      %dma_wait3A_80 = tpu.memref_slice %arg4[%select_n3A, %add3A_60, %dma_wait3A] : memref<8x64x32768xf32, #tpu.memory_space<hbm>> -> memref<1x1x32768xf32, #tpu.memory_space<hbm>>
      %dma_wait3A_81 = tpu.memref_squeeze %dma_wait3A_80 : memref<1x1x32768xf32, #tpu.memory_space<hbm>> -> memref<32768xf32, #tpu.memory_space<hbm>>
      %dma_wait3A_82 = arith.constant 0 : i32
      %dma_wait3A_83 = tpu.memref_slice %arg4[%select_n3A, %add3A_60, %dma_wait3A_82] : memref<8x64x32768xf32, #tpu.memory_space<hbm>> -> memref<1x1x32768xf32, #tpu.memory_space<hbm>>
      %dma_wait3A_84 = tpu.memref_squeeze %dma_wait3A_83 : memref<1x1x32768xf32, #tpu.memory_space<hbm>> -> memref<32768xf32, #tpu.memory_space<hbm>>
      tpu.wait_dma2 semaphore(%arg12 : memref<!tpu.dma_semaphore, #tpu.memory_space<semaphore_mem>>) src(%arg7 : memref<32768xf32, #tpu.memory_space<vmem>>) dst(%dma_wait3A_84 : memref<32768xf32, #tpu.memory_space<hbm>>)
      %scan3A_85 = arith.constant 0 : i32
      scf.yield %scan3A_85 : i32
    }
    %scan3A_57 = arith.constant 16 : i32
    return
  }
}

module attributes {stable_mosaic.version = 14 : i64} {
  func.func @_coords_body(%arg0: i32, %arg1: memref<1x3x65536xf32, #tpu.memory_space<vmem>>, %arg2: memref<1x3x65536xf32, #tpu.memory_space<vmem>>, %arg3: memref<1x1x65536xi32, #tpu.memory_space<vmem>>) attributes {dimension_semantics = [#tpu.dimension_semantics<arbitrary>], iteration_bounds = array<i64: 8>, scalar_prefetch = 0 : i64, scratch_operands = 0 : i64, tpu.core_type = #tpu.core_type<tc>, window_params = [{transform_indices = @transform_0, window_bounds = array<i64: 1, 3, 65536>}, {transform_indices = @transform_1, window_bounds = array<i64: 1, 3, 65536>}, {transform_indices = @transform_2, window_bounds = array<i64: 1, 1, 65536>}]} {
    %get3A = arith.constant 0 : index
    %get3A_0 = arith.constant 0 : index
    %get3A_1 = arith.constant 0 : index
    %get3A_2 = vector.load %arg1[%get3A, %get3A_0, %get3A_1] : memref<1x3x65536xf32, #tpu.memory_space<vmem>>, vector<1x3x65536xf32>
    %reduce_sum3A = arith.constant dense<0.000000e+00> : vector<1x3xf32>
    %reduce_sum3A_3 = vector.multi_reduction <add>, %get3A_2, %reduce_sum3A [2] : vector<1x3x65536xf32> to vector<1x3xf32>
    %broadcast_in_dim3A = vector.shape_cast %reduce_sum3A_3 : vector<1x3xf32> to vector<1x3x1xf32>
    %div3A = arith.constant 6.553600e+04 : f32
    %div3A_4 = vector.broadcast %div3A : f32 to vector<1x3x1xf32>
    %div3A_5 = arith.divf %broadcast_in_dim3A, %div3A_4 : vector<1x3x1xf32>
    %sub3A = vector.broadcast %div3A_5 : vector<1x3x1xf32> to vector<1x3x65536xf32>
    %sub3A_6 = arith.subf %get3A_2, %sub3A : vector<1x3x65536xf32>
    %add3A = arith.constant 1.000000e+00 : f32
    %add3A_7 = vector.broadcast %add3A : f32 to vector<1x3x65536xf32>
    %add3A_8 = arith.addf %sub3A_6, %add3A_7 : vector<1x3x65536xf32>
    %div3A_9 = arith.constant 2.000000e+00 : f32
    %div3A_10 = vector.broadcast %div3A_9 : f32 to vector<1x3x65536xf32>
    %div3A_11 = arith.divf %add3A_8, %div3A_10 : vector<1x3x65536xf32>
    %mul3A = arith.constant 3.200000e+01 : f32
    %mul3A_12 = vector.broadcast %mul3A : f32 to vector<1x3x65536xf32>
    %mul3A_13 = arith.mulf %div3A_11, %mul3A_12 : vector<1x3x65536xf32>
    %jit3A = arith.constant 0.000000e+00 : f32
    %jit3A_14 = arith.constant 3.100000e+01 : f32
    %max3A = vector.broadcast %jit3A : f32 to vector<1x3x65536xf32>
    %max3A_15 = arith.maximumf %max3A, %mul3A_13 : vector<1x3x65536xf32>
    %min3A = vector.broadcast %jit3A_14 : f32 to vector<1x3x65536xf32>
    %min3A_16 = arith.minimumf %min3A, %max3A_15 : vector<1x3x65536xf32>
    %swap3A = arith.constant 0 : index
    %swap3A_17 = arith.constant 0 : index
    %swap3A_18 = arith.constant 0 : index
    %swap3A_19 = vector.load %arg2[%swap3A, %swap3A_17, %swap3A_18] : memref<1x3x65536xf32, #tpu.memory_space<vmem>>, vector<1x3x65536xf32>
    tpu.vector_store %arg2[%swap3A, %swap3A_17, %swap3A_18], %min3A_16 {strides = array<i32>} : memref<1x3x65536xf32, #tpu.memory_space<vmem>>, vector<1x3x65536xf32>,
    %round3A = math.roundeven %min3A_16 : vector<1x3x65536xf32>
    %convert_element_type3A = arith.fptosi %round3A : vector<1x3x65536xf32> to vector<1x3x65536xi32>
    %slice3A = vector.extract_strided_slice %convert_element_type3A {offsets = [0, 0, 0], sizes = [1, 1, 65536], strides = [1, 1, 1]} : vector<1x3x65536xi32> to vector<1x1x65536xi32>
    %mul3A_20 = arith.constant 1024 : i32
    %mul3A_21 = vector.broadcast %mul3A_20 : i32 to vector<1x1x65536xi32>
    %mul3A_22 = arith.muli %slice3A, %mul3A_21 : vector<1x1x65536xi32>
    %slice3A_23 = vector.extract_strided_slice %convert_element_type3A {offsets = [0, 1, 0], sizes = [1, 1, 65536], strides = [1, 1, 1]} : vector<1x3x65536xi32> to vector<1x1x65536xi32>
    %mul3A_24 = arith.constant 32 : i32
    %mul3A_25 = vector.broadcast %mul3A_24 : i32 to vector<1x1x65536xi32>
    %mul3A_26 = arith.muli %slice3A_23, %mul3A_25 : vector<1x1x65536xi32>
    %add3A_27 = arith.addi %mul3A_22, %mul3A_26 : vector<1x1x65536xi32>
    %slice3A_28 = vector.extract_strided_slice %convert_element_type3A {offsets = [0, 2, 0], sizes = [1, 1, 65536], strides = [1, 1, 1]} : vector<1x3x65536xi32> to vector<1x1x65536xi32>
    %add3A_29 = arith.addi %add3A_27, %slice3A_28 : vector<1x1x65536xi32>
    %swap3A_30 = arith.constant 0 : index
    %swap3A_31 = arith.constant 0 : index
    %swap3A_32 = arith.constant 0 : index
    %swap3A_33 = vector.load %arg3[%swap3A_30, %swap3A_31, %swap3A_32] : memref<1x1x65536xi32, #tpu.memory_space<vmem>>, vector<1x1x65536xi32>
    tpu.vector_store %arg3[%swap3A_30, %swap3A_31, %swap3A_32], %add3A_29 {strides = array<i32>} : memref<1x1x65536xi32, #tpu.memory_space<vmem>>, vector<1x1x65536xi32>,
    return
  }
  func.func @transform_0(%arg0: i32) -> (i32, i32, i32) {
    %c0_i32 = arith.constant 0 : i32
    %c0_i32_0 = arith.constant 0 : i32
    %c0_i32_1 = arith.constant 0 : i32
    return %arg0, %c0_i32, %c0_i32_0 : i32, i32, i32
  }
  func.func @transform_1(%arg0: i32) -> (i32, i32, i32) {
    %c0_i32 = arith.constant 0 : i32
    %c0_i32_0 = arith.constant 0 : i32
    %c0_i32_1 = arith.constant 0 : i32
    return %arg0, %c0_i32, %c0_i32_0 : i32, i32, i32
  }
  func.func @transform_2(%arg0: i32) -> (i32, i32, i32) {
    %c0_i32 = arith.constant 0 : i32
    %c0_i32_0 = arith.constant 0 : i32
    %c0_i32_1 = arith.constant 0 : i32
    return %arg0, %c0_i32, %c0_i32_0 : i32, i32, i32
  }
}

module attributes {stable_mosaic.version = 14 : i64} {
  func.func @_scale_body(%arg0: i32, %arg1: i32, %arg2: memref<1x64x4096xf32, #tpu.memory_space<vmem>>, %arg3: memref<1x1x4096xf32, #tpu.memory_space<vmem>>, %arg4: memref<1x64x4096xf32, #tpu.memory_space<vmem>>) attributes {dimension_semantics = [#tpu.dimension_semantics<arbitrary>, #tpu.dimension_semantics<arbitrary>], iteration_bounds = array<i64: 8, 8>, scalar_prefetch = 0 : i64, scratch_operands = 0 : i64, tpu.core_type = #tpu.core_type<tc>, window_params = [{transform_indices = @transform_0, window_bounds = array<i64: 1, 64, 4096>}, {transform_indices = @transform_1, window_bounds = array<i64: 1, 1, 4096>}, {transform_indices = @transform_2, window_bounds = array<i64: 1, 64, 4096>}]} {
    %get3A = arith.constant 0 : index
    %get3A_0 = arith.constant 0 : index
    %get3A_1 = arith.constant 0 : index
    %get3A_2 = vector.load %arg2[%get3A, %get3A_0, %get3A_1] : memref<1x64x4096xf32, #tpu.memory_space<vmem>>, vector<1x64x4096xf32>
    %get3A_3 = arith.constant 0 : index
    %get3A_4 = arith.constant 0 : index
    %get3A_5 = arith.constant 0 : index
    %get3A_6 = vector.load %arg3[%get3A_3, %get3A_4, %get3A_5] : memref<1x1x4096xf32, #tpu.memory_space<vmem>>, vector<1x1x4096xf32>
    %max3A = arith.constant 1.000000e+00 : f32
    %max3A_7 = vector.broadcast %max3A : f32 to vector<1x1x4096xf32>
    %max3A_8 = arith.maximumf %get3A_6, %max3A_7 : vector<1x1x4096xf32>
    %div3A = arith.constant 1.000000e+00 : f32
    %div3A_9 = vector.broadcast %div3A : f32 to vector<1x1x4096xf32>
    %div3A_10 = arith.divf %div3A_9, %max3A_8 : vector<1x1x4096xf32>
    %mul3A = vector.broadcast %div3A_10 : vector<1x1x4096xf32> to vector<1x64x4096xf32>
    %mul3A_11 = arith.mulf %get3A_2, %mul3A : vector<1x64x4096xf32>
    %swap3A = arith.constant 0 : index
    %swap3A_12 = arith.constant 0 : index
    %swap3A_13 = arith.constant 0 : index
    %swap3A_14 = vector.load %arg4[%swap3A, %swap3A_12, %swap3A_13] : memref<1x64x4096xf32, #tpu.memory_space<vmem>>, vector<1x64x4096xf32>
    tpu.vector_store %arg4[%swap3A, %swap3A_12, %swap3A_13], %mul3A_11 {strides = array<i32>} : memref<1x64x4096xf32, #tpu.memory_space<vmem>>, vector<1x64x4096xf32>,
    return
  }
  func.func @transform_0(%arg0: i32, %arg1: i32) -> (i32, i32, i32) {
    %c0_i32 = arith.constant 0 : i32
    %c0_i32_0 = arith.constant 0 : i32
    return %arg0, %c0_i32, %arg1 : i32, i32, i32
  }
  func.func @transform_1(%arg0: i32, %arg1: i32) -> (i32, i32, i32) {
    %c0_i32 = arith.constant 0 : i32
    %c0_i32_0 = arith.constant 0 : i32
    return %arg0, %c0_i32, %arg1 : i32, i32, i32
  }
  func.func @transform_2(%arg0: i32, %arg1: i32) -> (i32, i32, i32) {
    %c0_i32 = arith.constant 0 : i32
    %c0_i32_0 = arith.constant 0 : i32
    return %arg0, %c0_i32, %arg1 : i32, i32, i32
  }
}

</mosaic_0001>

<sc_bundles>
// kernel: kernel.5.cloned.1.call-start
scs
__scs_entry_jumppad:
0x0: {  	(pc) =	sbr.rel $0x88, $3  }
0x1: {  	(tag) =	ssettag $0x0;
	lr =	simm.s32 $0x1  }
0x2: {  	[smem:$0x3F9F] =	sst lr;
	_ =	strace $0xD0000000  }
0x3: {  	_ = 	snop  }
0x4: {  	_ = 	snop  }
0x5: {  	_ = 	snop  }
0x6: {  	_ = 	snop  }
0x7: {  	_ = 	snop  }
__scs_overlays_trampoline_lowered:
0x8: {  	[smem:$0x3FAE] =	sst s0  }
0x9: {  	[smem:$0x3FAF] =	sst s1  }
0xa: {  	[smem:$0x3FB0] =	sst s2  }
0xb: {  	[smem:$0x3FB1] =	sst s3  }
0xc: {  	[smem:$0x3FB2] =	sst s4  }
0xd: {  	[smem:$0x3FB3] =	sst s5  }
0xe: {  	[smem:$0x3FB4] =	sst s6  }
0xf: {  	[smem:$0x3FB5] =	sst s7  }
0x10: {  	[smem:$0x3FB6] =	sst s8  }
0x11: {  	[smem:$0x3FB7] =	sst s9;
	s0 =	simm.s32 @!p0 $0x0  }
0x12: {  	s1 =	sld [smem:$0x3F9D];
	s0 =	simm.s32 @p0 $0x1  }
0x13: {  	[smem:$0x3FB8] =	sst s0;
	s0 =	simm.s32 @!p1 $0x0  }
0x14: {  	s2 =	sld [smem:$0x3F9C];
	s0 =	simm.s32 @p1 $0x1  }
0x15: {  	[smem:$0x3FB9] =	sst s0;
	s0 =	simm.s32 @!p2 $0x0  }
0x16: {  	s3 =	sld [smem:$0x3FDB];
	s0 =	simm.s32 @p2 $0x1  }
0x17: {  	s4 =	simm.s32 $0x1BF5;
	[smem:$0x3FBB] =	sst s0  }
0x18: {  	s0 =	sld [smem:$0x3F9E];
	_ =	swait.ge [sflag:s4], $0x0  }
0x19: {  	s7 =	sld [smem:$0x3F9F]  }
0x1a: {  	s8 =	sadd.s32 $0xFFFFE003, lr  }
0x1b: {  	s9 =	sadd.s32 $0xFFFFFEF7, lr;
	s5 =	simm.s32 $0xFFFFFFFF;
	p2 =	slt.u32 s8, $0xFFFFF086  }
0x1c: {  	p1 =	slt.u32 s9, $0xF7A;
	s5 =	simm.s32 @!p2 $0x0  }
0x1d: {  	s5 =	simm.s32 @p1 $0x1;
	p0 =	seq.s32 s7, s2  }
0x1e: {  	s7 =	smul.u32 @!p0 $0xF7A, s2;
	p2 =	seq.s32 @!p0 s5, $0x0  }
0x1f: {  	s9 =	smul.u32 $0xF7A, s1;
	s8 =	simm.s32 @!p0 $0x1BF5;
	p2 =	por !p2, p0  }
0x20: {  	[sflag:s8] =	ssyncset.s32 @!p0 $0xFFFFF086;
	s6 =	sadd.s32 @!p0 s3, s7;
	s7 =	simm.s32 @!p0 $0x108  }
0x21: {  	s3 =	sadd.s32 s3, s9;
	s6 =	sadd.s32 @!p0 $0x88, s6;
	s7 =	simm.s32 @p2 $0x1082  }
0x22: {  	[simem:s7], [sflag:s8] =	dma.local @!p0 [hbm:s6], $0xF7A  }
0x23: {  	s9 =	sor.u32 $0xD0000000, s2;
	s6 =	simm.s32 $0x108;
	_ =	swait.ge @!p0 [sflag:s8], $0x0  }
0x24: {  	s3 =	sadd.s32 $0x88, s3;
	s6 =	simm.s32 @!p1 $0x1082;
	[sflag:s4] =	ssyncset.s32 $0xFFFFF086  }
0x25: {  	[simem:s6], [sflag:s4] =	dma.local [hbm:s3], $0xF7A  }
0x26: {  	[smem:$0x3F9F] =	sst s1;
	(tag) =	ssettag s2;
	_ =	strace s9  }
0x27: {  	s1 =	sld [smem:$0x3FAF]  }
0x28: {  	s2 =	sld [smem:$0x3FB0]  }
0x29: {  	s4 =	sld [smem:$0x3FB2]  }
0x2a: {  	p0 =	seq.s32 s5, $0x0;
	s5 =	sld [smem:$0x3FB3]  }
0x2b: {  	s6 =	sld [smem:$0x3FB4]  }
0x2c: {  	s7 =	sld [smem:$0x3FB5]  }
0x2d: {  	s3 =	simm.s32 $0x108;
	s8 =	sld [smem:$0x3FB6]  }
0x2e: {  	s3 =	simm.s32 @!p0 $0x1082;
	s9 =	sld [smem:$0x3FB7]  }
0x2f: {  	lr =	sadd.s32 s0, s3;
	s0 =	sld [smem:$0x3FAE]  }
0x30: {  	s3 =	sld [smem:$0x3FB1]  }
0x31: {  	[smem:$0x3FBA] =	sst s10  }
0x32: {  	s10 =	sld [smem:$0x3FB8];
	_ =	sdelay $0x3  }
0x33: {  	p0 =	seq.s32 s10, $0x1;
	s10 =	sld [smem:$0x3FBA];
	_ =	sdelay $0x3  }
0x34: {  	[smem:$0x3FBA] =	sst s10  }
0x35: {  	s10 =	sld [smem:$0x3FB9];
	_ =	sdelay $0x3  }
0x36: {  	p1 =	seq.s32 s10, $0x1;
	s10 =	sld [smem:$0x3FBA];
	_ =	sdelay $0x3  }
0x37: {  	[smem:$0x3FBA] =	sst s10  }
0x38: {  	s10 =	sld [smem:$0x3FBB]  }
0x39: {  	_ = 	snop;
	(pc) =	sbr.ind lr, $3  }
0x3a: {  	_ = 	snop  }
0x3b: {  	_ = 	snop  }
0x3c: {  	p2 =	seq.s32 s10, $0x1;
	s10 =	sld [smem:$0x3FBA]  }
0x3d: {  	_ =	shalt  }
0x3e: {  	_ =	shalt  }
0x3f: {  	_ =	shalt  }
0x40: {  	_ =	shalt  }
0x41: {  	_ =	shalt  }
0x42: {  	_ =	shalt  }
0x43: {  	_ =	shalt  }
0x44: {  	_ =	shalt  }
0x45: {  	_ =	shalt  }
0x46: {  	_ =	shalt  }
0x47: {  	_ =	shalt  }
0x48: {  	_ =	shalt  }
0x49: {  	_ =	shalt  }
0x4a: {  	_ =	shalt  }
0x4b: {  	_ =	shalt  }
0x4c: {  	_ =	shalt  }
0x4d: {  	_ =	shalt  }
0x4e: {  	_ =	shalt  }
0x4f: {  	_ =	shalt  }
0x50: {  	_ =	shalt  }
0x51: {  	_ =	shalt  }
0x52: {  	_ =	shalt  }
0x53: {  	_ =	shalt  }
0x54: {  	_ =	shalt  }
0x55: {  	_ =	shalt  }
0x56: {  	_ =	shalt  }
0x57: {  	_ =	shalt  }
0x58: {  	_ =	shalt  }
0x59: {  	_ =	shalt  }
0x5a: {  	_ =	shalt  }
0x5b: {  	_ =	shalt  }
0x5c: {  	_ =	shalt  }
0x5d: {  	_ =	shalt  }
0x5e: {  	_ =	shalt  }
0x5f: {  	_ =	shalt  }
0x60: {  	_ =	shalt  }
0x61: {  	_ =	shalt  }
0x62: {  	_ =	shalt  }
0x63: {  	_ =	shalt  }
0x64: {  	_ =	shalt  }
0x65: {  	_ =	shalt  }
0x66: {  	_ =	shalt  }
0x67: {  	_ =	shalt  }
0x68: {  	_ =	shalt  }
0x69: {  	_ =	shalt  }
0x6a: {  	_ =	shalt  }
0x6b: {  	_ =	shalt  }
0x6c: {  	_ =	shalt  }
0x6d: {  	_ =	shalt  }
0x6e: {  	_ =	shalt  }
0x6f: {  	_ =	shalt  }
0x70: {  	_ =	shalt  }
0x71: {  	_ =	shalt  }
0x72: {  	_ =	shalt  }
0x73: {  	_ =	shalt  }
0x74: {  	_ =	shalt  }
0x75: {  	_ =	shalt  }
0x76: {  	_ =	shalt  }
0x77: {  	_ =	shalt  }
0x78: {  	_ =	shalt  }
0x79: {  	_ =	shalt  }
0x7a: {  	_ =	shalt  }
0x7b: {  	_ =	shalt  }
0x7c: {  	_ =	shalt  }
0x7d: {  	_ =	shalt  }
0x7e: {  	_ =	shalt  }
0x7f: {  	_ =	shalt  }
0x80: {  	_ =	shalt  }
0x81: {  	_ =	shalt  }
0x82: {  	_ =	shalt  }
0x83: {  	_ =	shalt  }
0x84: {  	_ =	shalt  }
0x85: {  	_ =	shalt  }
0x86: {  	_ =	shalt  }
0x87: {  	_ =	shalt  }
.Lfunc_end0:
.L_simem_size_0:
called_computation_lowered:
.L_overlay_start_0:
0x88: {  	s2 =	sld [smem:$0x3FD9]  }
0x89: {  	s3 =	sld [smem:$0x3FFE];
	_ =	sdelay $0x1  }
0x8a: {  	s1 =	srdreg.scid  }
0x8b: {  	s0 =	sand.u32 $0x1, s1  }
0x8c: {  	s14 =	sshll.u32 s0, $0xA;
	s2 =	sadd.s32 s3, s2  }
0x8d: {  	s2 =	sadd.s32 s2, s14  }
0x8e: {  	[smem:$0x3FC6] =	sst s2  }
0x8f: {  	_ = 	snop  }
0x90: {  	s2 =	sld [smem:$0x3FD0];
	_ =	sdelay $0x2  }
0x91: {  	s4 =	simm.s32 $0xA;
	s5 =	simm.s32 $0x10;
	s15 =	sld [smem:$0x3FC9]  }
0x92: {  	[smem:s5], [sflag:s4] =	dma.local [hbm:s2], $0x1  }
0x93: {  	_ =	swait.eq [sflag:s4], $0x1  }
0x94: {  	[sflag:s4] =	ssyncset.done $0x0  }
0x95: {  	[sflag:s4] =	ssyncadd.s32 $0xFFFFFFFF  }
0x96: {  	s16 =	sld [smem:$0x10];
	(tm) =	ssettm $0x1  }
0x97: {  	s17 =	sld [smem:$0x3FFB];
	_ =	sdelay $0x3  }
0x98: {  	_ =	strace s17  }
0x99: {  	s4 =	sld [smem:$0x3FFC];
	_ =	sdelay $0x3  }
0x9a: {  	_ =	strace s4  }
0x9b: {  	s4 =	sld [smem:$0x3FFD];
	_ =	sdelay $0x3  }
0x9c: {  	_ =	strace s4  }
0x9d: {  	_ =	strace $0x8FFFFFFF  }
0x9e: {  	s18 =	sld [smem:$0x3FDB];
	_ =	sdelay $0x1  }
0x9f: {  	s19 =	simm.s32 $_scs_section_size  }
0xa0: {  	s6 =	simm.s32 $_size__tile_overlayer_lowered;
	s7 =	simm.s32 $_tile_overlayer_lowered  }
0xa1: {  	s22 =	simm.s32 $0x1BFF;
	s21 =	sshll.u32 s7, $0x1;
	s4 =	sadd.s32 s19, s18  }
0xa2: {  	s8 =	simm.s32 $0x0;
	s20 =	sshll.u32 s6, $0x1;
	s6 =	sadd.s32 s21, s4  }
0xa3: {  	[timem:s8], [sflag:s22] =	dma.local [hbm:s6], s20  }
0xa4: {  	_ =	swait.ge [sflag:s22], s20  }
0xa5: {  	s5 =	ssub.s32 $0x0, s20;
	[sflag:s22] =	ssyncset.done $0x0  }
0xa6: {  	[sflag:s22] =	ssyncadd.s32 s5;
	_ =	sdelay $0x1  }
0xa7: {  	s23 =	simm.s32 $0x1B8B  }
0xa8: {  	_ =	swait.ge [sflag:s23], $0x1  }
0xa9: {  	[sflag:s23] =	ssyncset.done $0x0  }
0xaa: {  	s25 =	simm.s32 $0x1B8E;
	s24 =	sld [smem:$0x3FFE];
	[sflag:s23] =	ssyncadd.s32 $0xFFFFFFFF  }
0xab: {  	s26 =	simm.s32 $execute0_lowered;
	[smem:$0x3FD2] =	sst s25  }
0xac: {  	s6 =	sshll.u32 s26, $0x1;
	_ =	strace $0x80000046;
	[dreg:$0x1] =	wrdreg $0xFFFFFFFF  }
0xad: {  	s28 =	simm.s32 $_size_execute0_lowered;
	s4 =	sadd.s32 s4, s6;
	[dreg:$0x0] =	wrdreg $0x0  }
0xae: {  	s6 =	sshll.u32 s28, $0x1;
	[dreg:$0x2] =	wrdreg s4  }
0xaf: {  	[dreg:$0x3] =	wrdreg s6  }
0xb0: {  	[dreg:$0x4] =	wrdreg $0xC0  }
0xb1: {  	_ =	task [dreg:s8], $0x5FFFF  }
0xb2: {  	[dreg:$0x1] =	wrdreg $0xFFFFFFFF  }
0xb3: {  	[dreg:$0x0] =	wrdreg $0x60  }
0xb4: {  	[dreg:$0x2] =	wrdreg s15  }
0xb5: {  	[dreg:$0x3] =	wrdreg s24  }
0xb6: {  	[dreg:$0x4] =	wrdreg s16  }
0xb7: {  	[dreg:$0x5] =	wrdreg $0x9  }
0xb8: {  	_ =	task.clear_ibuf [dreg:s8], $0x6FFFF;
	_ =	strace $0x90000046  }
0xb9: {  	s29 =	simm.s32 $0x9;
	_ =	strace $0x80000048  }
0xba: {  	_ =	swait.ge [sflag:s29], $0x1  }
0xbb: {  	[sflag:s29] =	ssyncadd.s32 $0xFFFFFFFF  }
0xbc: {  	_ =	strace $0x90000048  }
0xbd: {  	_ =	sfence  }
0xbe: {  	s30 =	sld [smem:$0x0];
	_ =	sdelay $0x2  }
0xbf: {  	s31 =	sshll.u32 s1, $0xD;
	s1 =	sshrl.u32 s1, $0x2  }
0xc0: {  	s3 =	sand.u32 $0x4000, s31;
	s1 =	sadd.s32 s1, s30  }
0xc1: {  	s0 =	sor.u32 s3, s0;
	s1 =	sshll.u32 s1, $0x11  }
0xc2: {  	s0 =	sor.u32 s1, s0  }
0xc3: {  	s0 =	sadd.s32 $0x8F2B, s0  }
0xc4: {  	[sflag:s0] =	ssyncadd.remote.s32 $0x1  }
0xc5: {  	_ =	sfence.sel $0xFFFF  }
0xc6: {  	[dreg:$0x0] =	wrdreg $0xFFFFFFFF;
	(pc) =	sbr.abs _section_cstart, $3  }
0xc7: {  	[dreg:$0x1] =	wrdreg $0xFFFFFFFF  }
0xc8: {  	_ =	task.clear_ibuf [dreg:s8], $0x2FFFF;
	_ =	strace $0x9FFFFFFF  }
0xc9: {  	(tm) =	ssettm $0x7FFFFFFF  }
tec
execute0_lowered:
.L_overlay_start_1:
0x0: {  	(tag) =	ssettag $0x1  }
0x1: {  	s0 =	srdreg.scid  }
0x2: {  	s3 =	stileid.u32;
	s7 =	rddreg [dreg:$0x1];
	s5 =	simm.s32 $0x1  }
0x3: {  	s8 =	simm.s32 $0x0;
	s15 =	simm.s32 $0x80;
	s16 =	simm.s32 $0x400  }
0x4: {  	s18 =	simm.s32 $0x1A000;
	s19 =	simm.s32 $0x4;
	s0 =	sand.u32 $0x1, s0  }
0x5: {  	s20 =	simm.s32 $0x10000;
	s22 =	simm.s32 $0x2;
	s1 =	sshll.u32 s0, $0x4  }
0x6: {  	s23 =	simm.s32 $0x3;
	s4 =	sand.u32 $0x3, s3;
	s2 =	sor.u32 s3, s1  }
0x7: {  	s24 =	simm.s32 $0x0;
	p1 =	sne.s32 s4, $0x0;
	p0 =	seq.s32 s2, $0x0  }
0x8: {  	[smem:$0x7FF] =	sst s8;
	s9 =	sshll.u32 s4, $0x7;
	p0 =	por !p1, !p0  }
0x9: {  	s0 =	ssub.s32 $0x2, s0;
	s29 =	sshll.u32 s4, $0x14;
	p0 =	por !p0, !p0  }
0xa: {  	s1 =	rddreg [dreg:$0x0];
	s2 =	sshrl.u32 s2, $0x2;
	s5 =	simm.s32 @!p0 $0x0  }
0xb: {  	s3 =	rddreg [dreg:$0x2];
	_ =	strace $0x80000047;
	s2 =	ssub.s32 s2, s5  }
0xc: {  	s10 =	sshrl.u32 s0, $0x1;
	s5 =	sshll.u32 s2, $0x10;
	s6 =	sshll.u32 s2, $0x7  }
0xd: {  	s0 =	ssub.s32 s0, s10;
	s5 =	sand.u32 $0xFFF80000, s5;
	s6 =	sand.u32 $0x380, s6  }
0xe: {  	s14 =	smax.u32 s0, $0x1;
	s28 =	sshll.u32 s2, $0x11;
	s5 =	sor.u32 s6, s5  }
0xf: {  	s13 =	sshll.u32 s2, $0x15;
	s8 =	sor.u32 s9, s28;
	s6 =	sshrl.u32 s5, $0x3  }
.Ltmp0:
0x10: {  	s11 =	sadd.s32 s6, s7;
	s6 =	sshll.u32 s2, $0x16;
	(pc) =	sbr.rel .LBB2_1-.Ltmp0, $4  }
0x11: {  	s8 =	sshrl.u32 s8, $0x3;
	s5 =	simm.s32 $0x1;
	s9 =	sor.u32 s29, s6  }
0x12: {  	s12 =	sadd.s32 s8, s7;
	s7 =	sshll.u32 s4, $0x4;
	s30 =	sshrl.u32 s9, $0x3  }
0x13: {  	s12 =	sadd.s32 $0x10A00, s12;
	s9 =	sadd.s32 $0x2000, s1;
	s31 =	sadd.s32 s1, s30  }
0x14: {  	v0 =	vimm.f32 $0.0e+00;
	v1 =	vimm.f32 $1.000000000e+00;
	s11 =	sadd.s32 $0xA00, s11;
	s10 =	sadd.s32 s30, s9;
	[dreg:$0x4] =	wrdreg s31  }
.LBB2_16:
0x15: {  	s24 =	sadd.s32 $0x1, s24  }
0x16: {  	p0 =	sne.s32 s24, s14  }
.Ltmp1:
0x17: {  	_ = 	snop;
	(pc) =	sbr.rel @!p0 .LBB2_17-.Ltmp1, $1  }
0x18: {  	_ =	sdelay $0x3  }
.LBB2_1:
0x19: {  	s0 =	rddreg [dreg:$0x4];
	s2 =	simm.s32 $0x18000  }
0x1a: {  	[tilespmem:s2], [sflag:$0x1] =	stream.strided.gather [hbm4b:s0+s15], $0x2000, s16, s15, $0x38;
	[tilespmem:$0x1C000] =	vst v63  }
0x1b: {  	_ = 	snop  }
0x1c: {  	[tilespmem:s18], [sflag:$0x2] =	stream.strided.gather [hbm4b:s10+s15], $0x2000, s16, s15, $0x38;
	[tilespmem:$0x1C000] =	vst v63  }
0x1d: {  	s31 =	simm.s32 $0x0  }
0x1e: {  	[tilespmem:s31], [sflag:$0x4] =	stream.strided.gather [hbm4b:s11+s15], $0x10000, s16, s15, $0x38;
	[tilespmem:$0x1C000] =	vst v63  }
0x1f: {  	_ =	swait.ge [sflag:s19], $0x10000  }
0x20: {  	[sflag:s19] =	ssyncset.done $0x0  }
0x21: {  	s2 =	simm.s32 $0x10040;
	[sflag:s19] =	ssyncadd.s32 $0xFFFF0000  }
0x22: {  	[tilespmem:s2+$0xFFFFFFC0] =	vst v0  }
0x23: {  	[tilespmem:s2+$0x30] =	vst v0  }
0x24: {  	[tilespmem:s2+$0x20] =	vst v0  }
0x25: {  	[tilespmem:s2+$0x10] =	vst v0  }
0x26: {  	[tilespmem:s2+$0x0] =	vst v0  }
0x27: {  	[tilespmem:s2+$0xFFFFFFF0] =	vst v0  }
0x28: {  	s4 =	simm.s32 $0x0;
	[tilespmem:s2+$0xFFFFFFE0] =	vst v0  }
.LBB2_2:
0x29: {  	s4 =	sadd.s32 $0x8, s4;
	[tilespmem:s2+$0xFFFFFFD0] =	vst v0;
	s2 =	sadd.s32 $0x80, s2  }
0x2a: {  	[tilespmem:s2+$0xFFFFFFC0] =	vst v0;
	p0 =	slt.u32 s4, $0x7F8  }
0x2b: {  	[tilespmem:s2+$0x30] =	vst v0  }
.Ltmp2:
0x2c: {  	[tilespmem:s2+$0x20] =	vst v0;
	(pc) =	sbr.rel @p0 .LBB2_2-.Ltmp2, $4  }
0x2d: {  	[tilespmem:s2+$0x10] =	vst v0  }
0x2e: {  	[tilespmem:s2+$0x0] =	vst v0  }
0x2f: {  	[tilespmem:s2+$0xFFFFFFF0] =	vst v0  }
0x30: {  	s0 =	simm.s32 $0x80;
	[tilespmem:s2+$0xFFFFFFE0] =	vst v0  }
0x31: {  	[tilespmem:s2+$0xFFFFFFD0] =	vst v0  }
0x32: {  	v3 =	vld [tilespmem:s0+$0x30]  }
0x33: {  	v4 =	vld [tilespmem:s0+$0x40]  }
0x34: {  	v2 =	vld [tilespmem:s0+$0xFFFFFF80]  }
0x35: {  	v5 =	vld [tilespmem:s0+$0x70]  }
0x36: {  	v6 =	vld [tilespmem:s0+$0xFFFFFFD0]  }
0x37: {  	v7 =	vld [tilespmem:s0+$0xFFFFFFE0]  }
0x38: {  	v8 =	vld [tilespmem:s0+$0xFFFFFFF0]  }
0x39: {  	v9 =	vld [tilespmem:s0+$0x0]  }
0x3a: {  	v10 =	vld [tilespmem:s0+$0x60]  }
0x3b: {  	v11 =	vld [tilespmem:s0+$0x50]  }
0x3c: {  	v62 =	vld [tilespmem:s0+$0xFFFFFFA0]  }
0x3d: {  	v12 =	vld [tilespmem:s0+$0x20]  }
0x3e: {  	v13 =	vld [tilespmem:s0+$0x10]  }
0x3f: {  	v63 =	vld [tilespmem:s0+$0xFFFFFFB0]  }
0x40: {  	[tilespmem:v2+s20+$0x0] =	vst.idx.add.f32.msk $0xffff, v1  }
0x41: {  	[tilespmem:v5+s20+$0x0] =	vst.idx.add.f32.msk $0xffff, v1  }
0x42: {  	v2 =	vld [tilespmem:s0+$0xFFFFFF90]  }
0x43: {  	[tilespmem:v10+s20+$0x0] =	vst.idx.add.f32.msk $0xffff, v1  }
0x44: {  	[tilespmem:v11+s20+$0x0] =	vst.idx.add.f32.msk $0xffff, v1  }
0x45: {  	[tilespmem:v4+s20+$0x0] =	vst.idx.add.f32.msk $0xffff, v1  }
0x46: {  	[tilespmem:v3+s20+$0x0] =	vst.idx.add.f32.msk $0xffff, v1  }
0x47: {  	v3 =	vld [tilespmem:s0+$0xFFFFFFC0]  }
0x48: {  	[tilespmem:v12+s20+$0x0] =	vst.idx.add.f32.msk $0xffff, v1  }
0x49: {  	[tilespmem:v13+s20+$0x0] =	vst.idx.add.f32.msk $0xffff, v1  }
0x4a: {  	[tilespmem:v9+s20+$0x0] =	vst.idx.add.f32.msk $0xffff, v1  }
0x4b: {  	[tilespmem:v8+s20+$0x0] =	vst.idx.add.f32.msk $0xffff, v1  }
0x4c: {  	[tilespmem:v7+s20+$0x0] =	vst.idx.add.f32.msk $0xffff, v1  }
0x4d: {  	[tilespmem:v6+s20+$0x0] =	vst.idx.add.f32.msk $0xffff, v1  }
0x4e: {  	[tilespmem:v63+s20+$0x0] =	vst.idx.add.f32.msk $0xffff, v1  }
0x4f: {  	[tilespmem:v62+s20+$0x0] =	vst.idx.add.f32.msk $0xffff, v1  }
0x50: {  	s2 =	simm.s32 $0x0;
	[tilespmem:v3+s20+$0x0] =	vst.idx.add.f32.msk $0xffff, v1  }
.LBB2_4:
0x51: {  	s2 =	sadd.s32 $0x10, s2;
	[tilespmem:v2+s20+$0x0] =	vst.idx.add.f32.msk $0xffff, v1;
	s0 =	sadd.s32 $0x100, s0  }
0x52: {  	v3 =	vld [tilespmem:s0+$0x30];
	p0 =	slt.u32 s2, $0xFF0  }
0x53: {  	v4 =	vld [tilespmem:s0+$0x40]  }
0x54: {  	v2 =	vld [tilespmem:s0+$0xFFFFFF80]  }
0x55: {  	v5 =	vld [tilespmem:s0+$0x70]  }
0x56: {  	v6 =	vld [tilespmem:s0+$0xFFFFFFD0]  }
0x57: {  	v7 =	vld [tilespmem:s0+$0xFFFFFFE0]  }
0x58: {  	v8 =	vld [tilespmem:s0+$0xFFFFFFF0]  }
0x59: {  	v9 =	vld [tilespmem:s0+$0x0]  }
0x5a: {  	v10 =	vld [tilespmem:s0+$0x60]  }
0x5b: {  	v11 =	vld [tilespmem:s0+$0x50]  }
0x5c: {  	[tilespmem:v2+s20+$0x0] =	vst.idx.add.f32.msk $0xffff, v1  }
0x5d: {  	[tilespmem:v5+s20+$0x0] =	vst.idx.add.f32.msk $0xffff, v1  }
0x5e: {  	v2 =	vld [tilespmem:s0+$0xFFFFFF90]  }
0x5f: {  	v5 =	vld [tilespmem:s0+$0xFFFFFFA0]  }
0x60: {  	v12 =	vld [tilespmem:s0+$0x20]  }
0x61: {  	v13 =	vld [tilespmem:s0+$0x10]  }
0x62: {  	[tilespmem:v10+s20+$0x0] =	vst.idx.add.f32.msk $0xffff, v1  }
0x63: {  	[tilespmem:v11+s20+$0x0] =	vst.idx.add.f32.msk $0xffff, v1  }
0x64: {  	[tilespmem:v4+s20+$0x0] =	vst.idx.add.f32.msk $0xffff, v1  }
0x65: {  	[tilespmem:v3+s20+$0x0] =	vst.idx.add.f32.msk $0xffff, v1  }
0x66: {  	v3 =	vld [tilespmem:s0+$0xFFFFFFC0]  }
0x67: {  	v4 =	vld [tilespmem:s0+$0xFFFFFFB0]  }
0x68: {  	[tilespmem:v12+s20+$0x0] =	vst.idx.add.f32.msk $0xffff, v1  }
0x69: {  	[tilespmem:v13+s20+$0x0] =	vst.idx.add.f32.msk $0xffff, v1  }
0x6a: {  	[tilespmem:v9+s20+$0x0] =	vst.idx.add.f32.msk $0xffff, v1  }
0x6b: {  	[tilespmem:v8+s20+$0x0] =	vst.idx.add.f32.msk $0xffff, v1  }
.Ltmp3:
0x6c: {  	[tilespmem:v7+s20+$0x0] =	vst.idx.add.f32.msk $0xffff, v1;
	(pc) =	sbr.rel @p0 .LBB2_4-.Ltmp3, $4  }
0x6d: {  	[tilespmem:v6+s20+$0x0] =	vst.idx.add.f32.msk $0xffff, v1  }
0x6e: {  	[tilespmem:v3+s20+$0x0] =	vst.idx.add.f32.msk $0xffff, v1  }
0x6f: {  	[tilespmem:v4+s20+$0x0] =	vst.idx.add.f32.msk $0xffff, v1  }
0x70: {  	[tilespmem:v5+s20+$0x0] =	vst.idx.add.f32.msk $0xffff, v1  }
0x71: {  	_ =	sdelay $0x3  }
.Ltmp4:
0x72: {  	[tilespmem:v2+s20+$0x0] =	vst.idx.add.f32.msk $0xffff, v1;
	s0 =	simm.s32 $0x200;
	(pc) =	sbr.rel .LBB2_6-.Ltmp4, $4  }
0x73: {  	[hbm4b:s12+s15] =	stream.strided.scatter [tilespmem:s20], [sflag:$0x4], $0x8000, s0, s15, $0x38;
	[tilespmem:$0x1C000] =	vst v63  }
0x74: {  	_ =	swait.ge [sflag:s19], $0x8000  }
0x75: {  	[sflag:s19] =	ssyncset.done $0x0  }
0x76: {  	s25 =	simm.s32 $0x0;
	[sflag:s19] =	ssyncadd.s32 $0xFFFF8000  }
.LBB2_15:
0x77: {  	s0 =	sshll.u32 s26, $0xF  }
0x78: {  	s0 =	sand.u32 $0x1C0000, s0  }
0x79: {  	s0 =	sor.u32 s13, s0  }
0x7a: {  	s0 =	sor.u32 s28, s0  }
0x7b: {  	s0 =	sshrl.u32 s0, $0x3  }
0x7c: {  	p0 =	seq.s32 s25, $0xF;
	s0 =	sadd.s32 s3, s0  }
0x7d: {  	[hbm4b:s0+s15] =	stream.strided.scatter [tilespmem:s20], [sflag:$0x3], $0x8000, s16, s15, $0x38;
	[tilespmem:$0x1C000] =	vst v63  }
0x7e: {  	s0 =	sadd.s32 @!p0 $0x1, s26  }
0x7f: {  	s2 =	sshll.u32 @!p0 s0, $0x10  }
0x80: {  	s0 =	sshll.u32 @!p0 s0, $0x7;
	s2 =	sand.u32 @!p0 $0x780000, s2  }
0x81: {  	s0 =	sand.u32 @!p0 $0x380, s0;
	s2 =	sadd.s32 @!p0 s6, s2  }
0x82: {  	s0 =	sor.u32 @!p0 s0, s2  }
0x83: {  	s4 =	simm.s32 @!p0 $0x80;
	s0 =	sshrl.u32 @!p0 s0, $0x3  }
0x84: {  	s8 =	simm.s32 @!p0 $0x400;
	s17 =	simm.s32 @!p0 $0x18000;
	s2 =	sadd.s32 @!p0 s1, s0  }
0x85: {  	[tilespmem:s17], [sflag:$0x1] =	stream.strided.gather @!p0 [hbm4b:s2+s4], $0x2000, s8, s4, $0x38;
	[tilespmem:$0x1C000] =	vst v63  }
0x86: {  	s25 =	sadd.s32 $0x1, s25;
	s0 =	sadd.s32 @!p0 s0, s9;
	s2 =	simm.s32 @!p0 $0x1A000  }
0x87: {  	[tilespmem:s2], [sflag:$0x2] =	stream.strided.gather @!p0 [hbm4b:s0+s4], $0x2000, s8, s4, $0x38;
	[tilespmem:$0x1C000] =	vst v63  }
0x88: {  	p0 =	sne.s32 s25, $0x10  }
.Ltmp5:
0x89: {  	_ = 	snop;
	(pc) =	sbr.rel @!p0 .LBB2_16-.Ltmp5, $4  }
0x8a: {  	_ = 	snop  }
0x8b: {  	_ =	swait.ge [sflag:s23], $0x8000  }
0x8c: {  	[sflag:s23] =	ssyncset.done $0x0  }
0x8d: {  	[sflag:s23] =	ssyncadd.s32 $0xFFFF8000  }
.LBB2_6:
0x8e: {  	s0 =	simm.s32 $0x10040  }
0x8f: {  	[tilespmem:s0+$0xFFFFFFC0] =	vst v0  }
0x90: {  	[tilespmem:s0+$0x30] =	vst v0  }
0x91: {  	[tilespmem:s0+$0x20] =	vst v0  }
0x92: {  	[tilespmem:s0+$0x10] =	vst v0  }
0x93: {  	[tilespmem:s0+$0x0] =	vst v0  }
0x94: {  	[tilespmem:s0+$0xFFFFFFF0] =	vst v0  }
0x95: {  	s2 =	simm.s32 $0x0;
	[tilespmem:s0+$0xFFFFFFE0] =	vst v0  }
.LBB2_7:
0x96: {  	s2 =	sadd.s32 $0x8, s2;
	[tilespmem:s0+$0xFFFFFFD0] =	vst v0;
	s0 =	sadd.s32 $0x80, s0  }
0x97: {  	[tilespmem:s0+$0xFFFFFFC0] =	vst v0;
	p0 =	slt.u32 s2, $0x7F8  }
0x98: {  	[tilespmem:s0+$0x30] =	vst v0  }
.Ltmp6:
0x99: {  	[tilespmem:s0+$0x20] =	vst v0;
	(pc) =	sbr.rel @p0 .LBB2_7-.Ltmp6, $4  }
0x9a: {  	[tilespmem:s0+$0x10] =	vst v0  }
0x9b: {  	[tilespmem:s0+$0x0] =	vst v0  }
0x9c: {  	[tilespmem:s0+$0xFFFFFFF0] =	vst v0  }
0x9d: {  	[tilespmem:s0+$0xFFFFFFE0] =	vst v0  }
0x9e: {  	s26 =	sadd.s32 s7, s25  }
0x9f: {  	s21 =	sshll.u32 s26, $0x10  }
0xa0: {  	[tilespmem:s0+$0xFFFFFFD0] =	vst v0;
	s2 =	sshll.u32 s25, $0x7;
	s0 =	sand.u32 $0x380000, s21  }
0xa1: {  	s28 =	sand.u32 $0x380, s2;
	s0 =	sor.u32 s6, s0  }
0xa2: {  	s31 =	simm.s32 $0x0;
	s2 =	simm.s32 $0x80;
	s0 =	sor.u32 s0, s28  }
0xa3: {  	s29 =	sor.u32 $0x20000, s0;
	s30 =	sor.u32 $0x30000, s0;
	s0 =	simm.s32 $0x20F0  }
.LBB2_9:
0xa4: {  	_ =	swait.ge [sflag:s5], $0x2000  }
0xa5: {  	[sflag:s5] =	ssyncset.done $0x0  }
0xa6: {  	[sflag:s5] =	ssyncadd.s32 $0xFFFFE000  }
0xa7: {  	v2 =	vld [tilespmem:s2+$0x70]  }
0xa8: {  	v3 =	vld [tilespmem:s2+$0xFFFFFF90]  }
0xa9: {  	s4 =	simm.s32 $0x18080;
	v4 =	vld [tilespmem:s2+$0xFFFFFFA0]  }
0xaa: {  	v5 =	vld [tilespmem:s4+$0x70]  }
0xab: {  	v6 =	vld [tilespmem:s2+$0xFFFFFFB0]  }
0xac: {  	v7 =	vld [tilespmem:s2+$0xFFFFFFC0]  }
0xad: {  	v8 =	vld [tilespmem:s2+$0xFFFFFFD0]  }
0xae: {  	v9 =	vld [tilespmem:s2+$0xFFFFFFE0]  }
0xaf: {  	v63 =	vld [tilespmem:s2+$0x0]  }
0xb0: {  	v10 =	vld [tilespmem:s2+$0x10]  }
0xb1: {  	v11 =	vld [tilespmem:s2+$0x20]  }
0xb2: {  	v12 =	vld [tilespmem:s2+$0x30]  }
0xb3: {  	v13 =	vld [tilespmem:s2+$0x40]  }
0xb4: {  	v14 =	vld [tilespmem:s2+$0x50]  }
0xb5: {  	v15 =	vld [tilespmem:s2+$0x60]  }
0xb6: {  	v16 =	vld [tilespmem:s2+$0xFFFFFF80]  }
0xb7: {  	v17 =	vld [tilespmem:s4+$0xFFFFFF80]  }
0xb8: {  	v18 =	vld [tilespmem:s4+$0xFFFFFF90]  }
0xb9: {  	v19 =	vld [tilespmem:s4+$0xFFFFFFA0]  }
0xba: {  	v20 =	vld [tilespmem:s4+$0xFFFFFFB0]  }
0xbb: {  	v21 =	vld [tilespmem:s4+$0xFFFFFFC0]  }
0xbc: {  	v22 =	vld [tilespmem:s4+$0xFFFFFFD0]  }
0xbd: {  	v23 =	vld [tilespmem:s4+$0xFFFFFFE0]  }
0xbe: {  	v24 =	vld [tilespmem:s4+$0xFFFFFFF0]  }
0xbf: {  	v25 =	vld [tilespmem:s4+$0x0]  }
0xc0: {  	v26 =	vld [tilespmem:s4+$0x10]  }
0xc1: {  	v27 =	vld [tilespmem:s4+$0x20]  }
0xc2: {  	v28 =	vld [tilespmem:s4+$0x30]  }
0xc3: {  	v29 =	vld [tilespmem:s4+$0x40]  }
0xc4: {  	v30 =	vld [tilespmem:s4+$0x50]  }
0xc5: {  	v31 =	vld [tilespmem:s4+$0x60]  }
0xc6: {  	[tilespmem:v2+s20+$0x0] =	vst.idx.add.f32.msk $0xffff, v5  }
0xc7: {  	v2 =	vld [tilespmem:s2+$0xFFFFFFF0]  }
0xc8: {  	[tilespmem:v16+s20+$0x0] =	vst.idx.add.f32.msk $0xffff, v17  }
0xc9: {  	[tilespmem:v3+s20+$0x0] =	vst.idx.add.f32.msk $0xffff, v18  }
0xca: {  	[tilespmem:v4+s20+$0x0] =	vst.idx.add.f32.msk $0xffff, v19  }
0xcb: {  	[tilespmem:v6+s20+$0x0] =	vst.idx.add.f32.msk $0xffff, v20  }
0xcc: {  	[tilespmem:v7+s20+$0x0] =	vst.idx.add.f32.msk $0xffff, v21  }
0xcd: {  	[tilespmem:v8+s20+$0x0] =	vst.idx.add.f32.msk $0xffff, v22  }
0xce: {  	[tilespmem:v9+s20+$0x0] =	vst.idx.add.f32.msk $0xffff, v23  }
0xcf: {  	[tilespmem:v63+s20+$0x0] =	vst.idx.add.f32.msk $0xffff, v25  }
0xd0: {  	[tilespmem:v10+s20+$0x0] =	vst.idx.add.f32.msk $0xffff, v26  }
0xd1: {  	[tilespmem:v11+s20+$0x0] =	vst.idx.add.f32.msk $0xffff, v27  }
0xd2: {  	[tilespmem:v12+s20+$0x0] =	vst.idx.add.f32.msk $0xffff, v28  }
0xd3: {  	[tilespmem:v13+s20+$0x0] =	vst.idx.add.f32.msk $0xffff, v29  }
0xd4: {  	[tilespmem:v14+s20+$0x0] =	vst.idx.add.f32.msk $0xffff, v30  }
0xd5: {  	[tilespmem:v15+s20+$0x0] =	vst.idx.add.f32.msk $0xffff, v31  }
0xd6: {  	s17 =	simm.s32 $0x0;
	s21 =	sadd.s32 $0x100, s2;
	[tilespmem:v2+s20+$0x0] =	vst.idx.add.f32.msk $0xffff, v24  }
.LBB2_10:
0xd7: {  	v2 =	vld [tilespmem:s21+$0x70];
	s17 =	sadd.s32 $0x10, s17  }
0xd8: {  	v3 =	vld [tilespmem:s21+$0xFFFFFF90];
	p0 =	slt.u32 s17, $0x1F0  }
0xd9: {  	s4 =	sadd.s32 $0x100, s4;
	v4 =	vld [tilespmem:s21+$0xFFFFFFA0]  }
0xda: {  	v5 =	vld [tilespmem:s4+$0x70]  }
0xdb: {  	v6 =	vld [tilespmem:s21+$0xFFFFFFB0]  }
0xdc: {  	v7 =	vld [tilespmem:s21+$0xFFFFFFC0]  }
0xdd: {  	v8 =	vld [tilespmem:s21+$0xFFFFFFD0]  }
0xde: {  	v9 =	vld [tilespmem:s21+$0xFFFFFFE0]  }
0xdf: {  	[tilespmem:v2+s20+$0x0] =	vst.idx.add.f32.msk $0xffff, v5  }
0xe0: {  	v2 =	vld [tilespmem:s21+$0xFFFFFFF0]  }
0xe1: {  	v5 =	vld [tilespmem:s21+$0x0]  }
0xe2: {  	v10 =	vld [tilespmem:s21+$0x10]  }
0xe3: {  	v11 =	vld [tilespmem:s21+$0x20]  }
0xe4: {  	v12 =	vld [tilespmem:s21+$0x30]  }
0xe5: {  	v13 =	vld [tilespmem:s21+$0x40]  }
0xe6: {  	v14 =	vld [tilespmem:s21+$0x50]  }
0xe7: {  	v15 =	vld [tilespmem:s21+$0x60]  }
0xe8: {  	v16 =	vld [tilespmem:s21+$0xFFFFFF80]  }
0xe9: {  	v17 =	vld [tilespmem:s4+$0xFFFFFF80]  }
0xea: {  	v18 =	vld [tilespmem:s4+$0xFFFFFF90]  }
0xeb: {  	v19 =	vld [tilespmem:s4+$0xFFFFFFA0]  }
0xec: {  	v20 =	vld [tilespmem:s4+$0xFFFFFFB0]  }
0xed: {  	v21 =	vld [tilespmem:s4+$0xFFFFFFC0]  }
0xee: {  	v22 =	vld [tilespmem:s4+$0xFFFFFFD0]  }
0xef: {  	v23 =	vld [tilespmem:s4+$0xFFFFFFE0]  }
0xf0: {  	v24 =	vld [tilespmem:s4+$0xFFFFFFF0]  }
0xf1: {  	v25 =	vld [tilespmem:s4+$0x0]  }
0xf2: {  	v26 =	vld [tilespmem:s4+$0x10]  }
0xf3: {  	v27 =	vld [tilespmem:s4+$0x20]  }
0xf4: {  	v28 =	vld [tilespmem:s4+$0x30]  }
0xf5: {  	v29 =	vld [tilespmem:s4+$0x40]  }
0xf6: {  	v30 =	vld [tilespmem:s4+$0x50]  }
0xf7: {  	v31 =	vld [tilespmem:s4+$0x60]  }
0xf8: {  	[tilespmem:v16+s20+$0x0] =	vst.idx.add.f32.msk $0xffff, v17  }
0xf9: {  	[tilespmem:v3+s20+$0x0] =	vst.idx.add.f32.msk $0xffff, v18  }
0xfa: {  	[tilespmem:v4+s20+$0x0] =	vst.idx.add.f32.msk $0xffff, v19  }
0xfb: {  	[tilespmem:v6+s20+$0x0] =	vst.idx.add.f32.msk $0xffff, v20  }
0xfc: {  	[tilespmem:v7+s20+$0x0] =	vst.idx.add.f32.msk $0xffff, v21  }
0xfd: {  	[tilespmem:v8+s20+$0x0] =	vst.idx.add.f32.msk $0xffff, v22  }
0xfe: {  	[tilespmem:v9+s20+$0x0] =	vst.idx.add.f32.msk $0xffff, v23  }
0xff: {  	[tilespmem:v2+s20+$0x0] =	vst.idx.add.f32.msk $0xffff, v24  }
0x100: {  	[tilespmem:v5+s20+$0x0] =	vst.idx.add.f32.msk $0xffff, v25  }
0x101: {  	[tilespmem:v10+s20+$0x0] =	vst.idx.add.f32.msk $0xffff, v26  }
.Ltmp7:
0x102: {  	[tilespmem:v11+s20+$0x0] =	vst.idx.add.f32.msk $0xffff, v27;
	(pc) =	sbr.rel @p0 .LBB2_10-.Ltmp7, $4  }
0x103: {  	[tilespmem:v12+s20+$0x0] =	vst.idx.add.f32.msk $0xffff, v28  }
0x104: {  	[tilespmem:v13+s20+$0x0] =	vst.idx.add.f32.msk $0xffff, v29  }
0x105: {  	[tilespmem:v14+s20+$0x0] =	vst.idx.add.f32.msk $0xffff, v30  }
0x106: {  	s21 =	sadd.s32 $0x100, s21;
	[tilespmem:v15+s20+$0x0] =	vst.idx.add.f32.msk $0xffff, v31  }
0x107: {  	p0 =	seq.s32 s31, $0x3  }
0x108: {  	s4 =	sshll.u32 @!p0 s31, $0x11  }
0x109: {  	s4 =	sadd.s32 @!p0 s4, s29  }
0x10a: {  	s17 =	simm.s32 @!p0 $0x80;
	s4 =	sshrl.u32 @!p0 s4, $0x3  }
0x10b: {  	s21 =	simm.s32 @!p0 $0x400;
	s8 =	simm.s32 @!p0 $0x18000;
	s4 =	sadd.s32 @!p0 s1, s4  }
0x10c: {  	[tilespmem:s8], [sflag:$0x1] =	stream.strided.gather @!p0 [hbm4b:s4+s17], $0x2000, s21, s17, $0x38;
	[tilespmem:$0x1C000] =	vst v63  }
0x10d: {  	_ =	swait.ge [sflag:s22], $0x2000  }
0x10e: {  	[sflag:s22] =	ssyncset.done $0x0  }
0x10f: {  	[sflag:s22] =	ssyncadd.s32 $0xFFFFE000  }
0x110: {  	v2 =	vld [tilespmem:s0+$0x0]  }
0x111: {  	v3 =	vld [tilespmem:s0+$0xFFFFFF20]  }
0x112: {  	s4 =	simm.s32 $0x1A080;
	v4 =	vld [tilespmem:s0+$0xFFFFFF30]  }
0x113: {  	v5 =	vld [tilespmem:s4+$0x70]  }
0x114: {  	v6 =	vld [tilespmem:s0+$0xFFFFFF40]  }
0x115: {  	v7 =	vld [tilespmem:s0+$0xFFFFFF50]  }
0x116: {  	v8 =	vld [tilespmem:s0+$0xFFFFFF60]  }
0x117: {  	v9 =	vld [tilespmem:s0+$0xFFFFFF70]  }
0x118: {  	v63 =	vld [tilespmem:s0+$0xFFFFFF90]  }
0x119: {  	v10 =	vld [tilespmem:s0+$0xFFFFFFA0]  }
0x11a: {  	v11 =	vld [tilespmem:s0+$0xFFFFFFB0]  }
0x11b: {  	v12 =	vld [tilespmem:s0+$0xFFFFFFC0]  }
0x11c: {  	v13 =	vld [tilespmem:s0+$0xFFFFFFD0]  }
0x11d: {  	v14 =	vld [tilespmem:s0+$0xFFFFFFE0]  }
0x11e: {  	v15 =	vld [tilespmem:s0+$0xFFFFFFF0]  }
0x11f: {  	v16 =	vld [tilespmem:s0+$0xFFFFFF10]  }
0x120: {  	v17 =	vld [tilespmem:s4+$0xFFFFFF80]  }
0x121: {  	v18 =	vld [tilespmem:s4+$0xFFFFFF90]  }
0x122: {  	v19 =	vld [tilespmem:s4+$0xFFFFFFA0]  }
0x123: {  	v20 =	vld [tilespmem:s4+$0xFFFFFFB0]  }
0x124: {  	v21 =	vld [tilespmem:s4+$0xFFFFFFC0]  }
0x125: {  	v22 =	vld [tilespmem:s4+$0xFFFFFFD0]  }
0x126: {  	v23 =	vld [tilespmem:s4+$0xFFFFFFE0]  }
0x127: {  	v24 =	vld [tilespmem:s4+$0xFFFFFFF0]  }
0x128: {  	v25 =	vld [tilespmem:s4+$0x0]  }
0x129: {  	v26 =	vld [tilespmem:s4+$0x10]  }
0x12a: {  	v27 =	vld [tilespmem:s4+$0x20]  }
0x12b: {  	v28 =	vld [tilespmem:s4+$0x30]  }
0x12c: {  	v29 =	vld [tilespmem:s4+$0x40]  }
0x12d: {  	v30 =	vld [tilespmem:s4+$0x50]  }
0x12e: {  	v31 =	vld [tilespmem:s4+$0x60]  }
0x12f: {  	[tilespmem:v2+s20+$0x0] =	vst.idx.add.f32.msk $0xffff, v5  }
0x130: {  	v2 =	vld [tilespmem:s0+$0xFFFFFF80]  }
0x131: {  	[tilespmem:v16+s20+$0x0] =	vst.idx.add.f32.msk $0xffff, v17  }
0x132: {  	[tilespmem:v3+s20+$0x0] =	vst.idx.add.f32.msk $0xffff, v18  }
0x133: {  	[tilespmem:v4+s20+$0x0] =	vst.idx.add.f32.msk $0xffff, v19  }
0x134: {  	[tilespmem:v6+s20+$0x0] =	vst.idx.add.f32.msk $0xffff, v20  }
0x135: {  	[tilespmem:v7+s20+$0x0] =	vst.idx.add.f32.msk $0xffff, v21  }
0x136: {  	[tilespmem:v8+s20+$0x0] =	vst.idx.add.f32.msk $0xffff, v22  }
0x137: {  	[tilespmem:v9+s20+$0x0] =	vst.idx.add.f32.msk $0xffff, v23  }
0x138: {  	[tilespmem:v63+s20+$0x0] =	vst.idx.add.f32.msk $0xffff, v25  }
0x139: {  	[tilespmem:v10+s20+$0x0] =	vst.idx.add.f32.msk $0xffff, v26  }
0x13a: {  	[tilespmem:v11+s20+$0x0] =	vst.idx.add.f32.msk $0xffff, v27  }
0x13b: {  	[tilespmem:v12+s20+$0x0] =	vst.idx.add.f32.msk $0xffff, v28  }
0x13c: {  	[tilespmem:v13+s20+$0x0] =	vst.idx.add.f32.msk $0xffff, v29  }
0x13d: {  	[tilespmem:v14+s20+$0x0] =	vst.idx.add.f32.msk $0xffff, v30  }
0x13e: {  	[tilespmem:v15+s20+$0x0] =	vst.idx.add.f32.msk $0xffff, v31  }
0x13f: {  	s17 =	simm.s32 $0x0;
	s21 =	sadd.s32 $0x100, s0;
	[tilespmem:v2+s20+$0x0] =	vst.idx.add.f32.msk $0xffff, v24  }
.LBB2_12:
0x140: {  	v2 =	vld [tilespmem:s21+$0x0];
	s17 =	sadd.s32 $0x10, s17  }
0x141: {  	v3 =	vld [tilespmem:s21+$0xFFFFFF20];
	p1 =	slt.u32 s17, $0x1F0  }
0x142: {  	s4 =	sadd.s32 $0x100, s4;
	v4 =	vld [tilespmem:s21+$0xFFFFFF30]  }
0x143: {  	v5 =	vld [tilespmem:s4+$0x70]  }
0x144: {  	v6 =	vld [tilespmem:s21+$0xFFFFFF40]  }
0x145: {  	v7 =	vld [tilespmem:s21+$0xFFFFFF50]  }
0x146: {  	v8 =	vld [tilespmem:s21+$0xFFFFFF60]  }
0x147: {  	v9 =	vld [tilespmem:s21+$0xFFFFFF70]  }
0x148: {  	[tilespmem:v2+s20+$0x0] =	vst.idx.add.f32.msk $0xffff, v5  }
0x149: {  	v2 =	vld [tilespmem:s21+$0xFFFFFF80]  }
0x14a: {  	v5 =	vld [tilespmem:s21+$0xFFFFFF90]  }
0x14b: {  	v10 =	vld [tilespmem:s21+$0xFFFFFFA0]  }
0x14c: {  	v11 =	vld [tilespmem:s21+$0xFFFFFFB0]  }
0x14d: {  	v12 =	vld [tilespmem:s21+$0xFFFFFFC0]  }
0x14e: {  	v13 =	vld [tilespmem:s21+$0xFFFFFFD0]  }
0x14f: {  	v14 =	vld [tilespmem:s21+$0xFFFFFFE0]  }
0x150: {  	v15 =	vld [tilespmem:s21+$0xFFFFFFF0]  }
0x151: {  	v16 =	vld [tilespmem:s21+$0xFFFFFF10]  }
0x152: {  	v17 =	vld [tilespmem:s4+$0xFFFFFF80]  }
0x153: {  	v18 =	vld [tilespmem:s4+$0xFFFFFF90]  }
0x154: {  	v19 =	vld [tilespmem:s4+$0xFFFFFFA0]  }
0x155: {  	v20 =	vld [tilespmem:s4+$0xFFFFFFB0]  }
0x156: {  	v21 =	vld [tilespmem:s4+$0xFFFFFFC0]  }
0x157: {  	v22 =	vld [tilespmem:s4+$0xFFFFFFD0]  }
0x158: {  	v23 =	vld [tilespmem:s4+$0xFFFFFFE0]  }
0x159: {  	v24 =	vld [tilespmem:s4+$0xFFFFFFF0]  }
0x15a: {  	v25 =	vld [tilespmem:s4+$0x0]  }
0x15b: {  	v26 =	vld [tilespmem:s4+$0x10]  }
0x15c: {  	v27 =	vld [tilespmem:s4+$0x20]  }
0x15d: {  	v28 =	vld [tilespmem:s4+$0x30]  }
0x15e: {  	v29 =	vld [tilespmem:s4+$0x40]  }
0x15f: {  	v30 =	vld [tilespmem:s4+$0x50]  }
0x160: {  	v31 =	vld [tilespmem:s4+$0x60]  }
0x161: {  	[tilespmem:v16+s20+$0x0] =	vst.idx.add.f32.msk $0xffff, v17  }
0x162: {  	[tilespmem:v3+s20+$0x0] =	vst.idx.add.f32.msk $0xffff, v18  }
0x163: {  	[tilespmem:v4+s20+$0x0] =	vst.idx.add.f32.msk $0xffff, v19  }
0x164: {  	[tilespmem:v6+s20+$0x0] =	vst.idx.add.f32.msk $0xffff, v20  }
0x165: {  	[tilespmem:v7+s20+$0x0] =	vst.idx.add.f32.msk $0xffff, v21  }
0x166: {  	[tilespmem:v8+s20+$0x0] =	vst.idx.add.f32.msk $0xffff, v22  }
0x167: {  	[tilespmem:v9+s20+$0x0] =	vst.idx.add.f32.msk $0xffff, v23  }
0x168: {  	[tilespmem:v2+s20+$0x0] =	vst.idx.add.f32.msk $0xffff, v24  }
0x169: {  	[tilespmem:v5+s20+$0x0] =	vst.idx.add.f32.msk $0xffff, v25  }
0x16a: {  	[tilespmem:v10+s20+$0x0] =	vst.idx.add.f32.msk $0xffff, v26  }
.Ltmp8:
0x16b: {  	[tilespmem:v11+s20+$0x0] =	vst.idx.add.f32.msk $0xffff, v27;
	(pc) =	sbr.rel @p1 .LBB2_12-.Ltmp8, $4  }
0x16c: {  	[tilespmem:v12+s20+$0x0] =	vst.idx.add.f32.msk $0xffff, v28  }
0x16d: {  	[tilespmem:v13+s20+$0x0] =	vst.idx.add.f32.msk $0xffff, v29  }
0x16e: {  	[tilespmem:v14+s20+$0x0] =	vst.idx.add.f32.msk $0xffff, v30  }
0x16f: {  	s21 =	sadd.s32 $0x100, s21;
	[tilespmem:v15+s20+$0x0] =	vst.idx.add.f32.msk $0xffff, v31  }
.Ltmp9:
0x170: {  	(pc) =	sbr.rel @p0 .LBB2_15-.Ltmp9, $1  }
0x171: {  	_ =	sdelay $0x3  }
.Ltmp10:
0x172: {  	s4 =	sshll.u32 s31, $0x11;
	(pc) =	sbr.rel .LBB2_9-.Ltmp10, $4  }
0x173: {  	s4 =	sadd.s32 s4, s30  }
0x174: {  	s31 =	sadd.s32 $0x1, s31;
	s4 =	sshrl.u32 s4, $0x3  }
0x175: {  	s2 =	sadd.s32 $0x4000, s2;
	s0 =	sadd.s32 $0x4000, s0;
	s4 =	sadd.s32 s1, s4  }
0x176: {  	[tilespmem:s18], [sflag:$0x2] =	stream.strided.gather [hbm4b:s4+s15], $0x2000, s16, s15, $0x38;
	[tilespmem:$0x1C000] =	vst v63  }
.LBB2_17:
0x177: {  	_ =	sfence.sel $0x180000  }
0x178: {  	[bflag:$0x0] =	sbarrier.arrive $0xFFFF  }
0x179: {  	_ =	strace $0x90000047  }
0x17a: {  	s0 =	stileid.u32;
	[bflag:$0x2] =	sbarrier.arrive $0xFFFF  }
0x17b: {  	p0 =	sne.s32 s0, $0x0;
	s0 =	rddreg [dreg:$0x3]  }
0x17c: {  	s0 =	sadd.s32 @!p0 $0x100000, s0  }
0x17d: {  	[sflag:s0] =	ssyncadd.tile.s32 @!p0 $0x1;
	_ =	shalt  }
.Lfunc_end2:
_tile_overlayer_lowered:
.L_overlay_start_2:
0x17e: {  	(tag) =	ssettag $0x2  }
0x17f: {  	s0 =	rddreg [dreg:$0x0];
	s2 =	stileid.u32  }
0x180: {  	s1 =	rddreg [dreg:$0x1];
	p0 =	sne.s32 s2, $0x0  }
0x181: {  	s3 =	rddreg [dreg:$0x2];
	[bflag:$0x3] =	sbarrier.arrive $0xFFFF;
	s2 =	simm.s32 @!p0 $0x1C04  }
0x182: {  	[timem:s3], [sflag:s2] =	dma.local @!p0 [hbm:s0], s1  }
0x183: {  	s0 =	simm.s32 @!p0 $0x4  }
0x184: {  	_ =	swait.ge @!p0 [sflag:s0], s1  }
0x185: {  	s1 =	ssub.s32 @!p0 $0x0, s1;
	[sflag:s0] =	ssyncset.done @!p0 $0x0  }
0x186: {  	[sflag:s0] =	ssyncadd.s32 @!p0 s1  }
0x187: {  	[bflag:$0x3] =	sbarrier.arrive $0xFFFF  }
0x188: {  	_ =	shalt  }

</sc_bundles>
